<compile_context>
chip_gen: v7x
topology: tpu7x:2x2x1
jax: 0.10.2.dev20260603
libtpu: 0.0.44.dev20260713+nightly
codegen_flags: <defaults>
</compile_context>

<pallas_src>
import jax
import jax.numpy as jnp
from jax import lax
from jax.experimental import pallas as pl
from jax.experimental.pallas import tpu as pltpu
from jax.experimental.pallas import tpu_sc as plsc

B, L, D = 1, 2048, 1024
H = 16
K = 1536
NU = D // 2
NH = H // 2
HD = NU // NH
R = min(L - K, L // 2)
RU = L - K
HALF = L // 2
UNM = HALF - R

_ROWS = 1024

_HSC = 6
_NW = 32
_RPW = _HSC * L // _NW
_CHR = 16
_LANES = 16


def _sc_colsum_body(scores_hbm, out_hbm, buf_v, acc_v, sem):
    wid = lax.axis_index("s") * 2 + lax.axis_index("c")
    row0 = wid * _RPW

    def _zero(j, _):
        acc_v[pl.ds(j * _LANES, _LANES)] = jnp.zeros((_LANES,), jnp.float32)
        return 0

    lax.fori_loop(0, L // _LANES, _zero, 0)
    iota16 = lax.iota(jnp.int32, _LANES)

    def _chunk(cidx, _):
        r0 = row0 + cidx * _CHR
        pltpu.async_copy(
            scores_hbm.at[pl.ds(r0, _CHR)], buf_v, sem).wait()

        def _cols(j, _):
            base = j * _LANES
            acc = acc_v[pl.ds(base, _LANES)]
            for r in range(_CHR):
                acc = acc + buf_v[r, pl.ds(base, _LANES)]
            acc_v[pl.ds(base, _LANES)] = acc
            return 0

        lax.fori_loop(0, L // _LANES, _cols, 0)
        i0 = lax.rem(r0, L)
        corr = jnp.zeros((_LANES,), jnp.float32)
        for r in range(_CHR):
            v = buf_v[r, pl.ds(i0, _LANES)]
            corr = corr + jnp.where(iota16 == r, v, 0.0)
        acc_v[pl.ds(i0, _LANES)] = acc_v[pl.ds(i0, _LANES)] - corr
        return 0

    lax.fori_loop(0, _RPW // _CHR, _chunk, 0)
    pltpu.sync_copy(acc_v, out_hbm.at[wid])


def _sc_colsum(scores_rows):
    k = pl.kernel(
        _sc_colsum_body,
        mesh=plsc.VectorSubcoreMesh(core_axis_name="c", subcore_axis_name="s"),
        out_type=jax.ShapeDtypeStruct((_NW, L), jnp.float32),
        scratch_types=[
            pltpu.VMEM((_CHR, L), jnp.float32),
            pltpu.VMEM((L,), jnp.float32),
            pltpu.SemaphoreType.DMA,
        ],
    )
    return k(scores_rows)


def _importance_kernel(s_ref, out_ref):
    c = pl.program_id(0)
    h = pl.program_id(1)
    blk = s_ref[0]
    delta = (jax.lax.broadcasted_iota(jnp.int32, (_ROWS, L), 1)
             - jax.lax.broadcasted_iota(jnp.int32, (_ROWS, L), 0))
    masked = jnp.where(delta == c * _ROWS, 0.0, blk).astype(jnp.bfloat16)
    ones_row = jnp.ones((1, _ROWS), dtype=jnp.bfloat16)
    contrib = jax.lax.dot_general(
        ones_row, masked, (((1,), (0,)), ((), ())),
        preferred_element_type=jnp.float32)

    @pl.when((c == 0) & (h == 0))
    def _():
        out_ref[...] = contrib

    @pl.when(jnp.logical_not((c == 0) & (h == 0)))
    def _():
        out_ref[...] = out_ref[...] + contrib


def _rank_desc_row(v_col, v_row, n, chunk):
    acc = jnp.zeros((1, n), dtype=jnp.float32)
    idx_row = jax.lax.broadcasted_iota(jnp.int32, (1, n), 1)
    for c0 in range(0, n, chunk):
        vi = jax.lax.slice(v_col, (c0, 0), (c0 + chunk, 1))
        idx_col = jax.lax.broadcasted_iota(jnp.int32, (chunk, 1), 0) + c0
        beats = (vi > v_row) | ((vi == v_row) & (idx_col < idx_row))
        acc = acc + jnp.sum(beats.astype(jnp.float32), axis=0, keepdims=True)
    return acc


def _rank_desc_col(v_col, v_row, n, chunk):
    acc = jnp.zeros((n, 1), dtype=jnp.float32)
    idx_col = jax.lax.broadcasted_iota(jnp.int32, (n, 1), 0)
    for c0 in range(0, n, chunk):
        vi = jax.lax.slice(v_row, (0, c0), (1, c0 + chunk))
        idx_row = jax.lax.broadcasted_iota(jnp.int32, (1, chunk), 1) + c0
        beats = (vi > v_col) | ((vi == v_col) & (idx_row < idx_col))
        acc = acc + jnp.sum(beats.astype(jnp.float32), axis=1, keepdims=True)
    return acc


def _select_mha_kernel(imp_row_ref, imp_col_ref, hs_ref,
                       wq_ref, wk_ref, wv_ref, wo_ref, out_ref):
    imp_row = imp_row_ref[...]
    imp_col = imp_col_ref[...]
    rank = _rank_desc_row(imp_col, imp_row, L, 256)
    maskf = (rank >= float(K)).astype(jnp.float32)
    i_col = jax.lax.broadcasted_iota(jnp.int32, (L, 1), 0)
    pos_parts = []
    for c0 in range(0, L, 256):
        j_row = jax.lax.broadcasted_iota(jnp.int32, (1, 256), 1) + c0
        tri = (i_col < j_row).astype(jnp.float32)
        pos_parts.append(jax.lax.dot_general(
            maskf, tri, (((1,), (0,)), ((), ())),
            preferred_element_type=jnp.float32, precision=jax.lax.Precision.HIGHEST))
    pos = jnp.concatenate(pos_parts, axis=1)
    m_col = jax.lax.broadcasted_iota(jnp.int32, (RU, 1), 0).astype(jnp.float32)
    onehot = jnp.where((pos == m_col) & (maskf == 1.0), 1.0, 0.0)
    unp = jax.lax.dot_general(
        onehot, hs_ref[...], (((1,), (0,)), ((), ())),
        preferred_element_type=jnp.float32, precision=jax.lax.Precision.HIGHEST)
    cls = hs_ref[0:1, :]
    q = jnp.dot(cls, wq_ref[...], preferred_element_type=jnp.float32,
                precision=jax.lax.Precision.HIGHEST)
    kx = jnp.dot(unp, wk_ref[...], preferred_element_type=jnp.float32,
                 precision=jax.lax.Precision.HIGHEST)
    vx = jnp.dot(unp, wv_ref[...], preferred_element_type=jnp.float32,
                 precision=jax.lax.Precision.HIGHEST)
    outs = []
    scale = 1.0 / float(HD) ** 0.5
    for h in range(NH):
        qh = q[:, h * HD:(h + 1) * HD]
        kh = kx[:, h * HD:(h + 1) * HD]
        vh = vx[:, h * HD:(h + 1) * HD]
        att = jax.lax.dot_general(
            qh, kh, (((1,), (1,)), ((), ())),
            preferred_element_type=jnp.float32,
            precision=jax.lax.Precision.HIGHEST) * scale
        att = att - jnp.max(att, axis=1, keepdims=True)
        w = jnp.exp(att)
        w = w / jnp.sum(w, axis=1, keepdims=True)
        outs.append(jnp.dot(w, vh, preferred_element_type=jnp.float32,
                            precision=jax.lax.Precision.HIGHEST))
    cat = jnp.concatenate(outs, axis=1)
    out_ref[...] = jnp.dot(cat, wo_ref[...], preferred_element_type=jnp.float32,
                           precision=jax.lax.Precision.HIGHEST)


_BCH = 256


def _node_stats_kernel(an_ref, bn_ref, nmax_ref, nidx_ref):
    an = an_ref[...]
    bn = bn_ref[...]
    scores = jax.lax.dot_general(
        an.astype(jnp.bfloat16), bn.astype(jnp.bfloat16),
        (((1,), (1,)), ((), ())),
        preferred_element_type=jnp.float32)
    nmax = jnp.max(scores, axis=1, keepdims=True)
    j_row = jax.lax.broadcasted_iota(jnp.int32, (1, HALF), 1)
    nidx = jnp.min(jnp.where(scores == nmax, j_row, HALF), axis=1,
                   keepdims=True)
    nmax_ref[...] = nmax
    nidx_ref[...] = nidx


def _merge_kernel(nmax_col_ref, nmax_row_ref, nidx_ref, a_ref, b_ref,
                  unm_ref, dst_ref):
    rank = _rank_desc_col(
        nmax_col_ref[...], nmax_row_ref[...], HALF, 256)
    nidx = nidx_ref[...]
    a = a_ref[...]
    b = b_ref[...]
    m_row = jax.lax.broadcasted_iota(jnp.int32, (1, UNM), 1).astype(jnp.float32)
    unm_oh_t = jnp.where(rank - float(R) == m_row, 1.0, 0.0)
    unm_ref[...] = jax.lax.dot_general(
        unm_oh_t, a, (((0,), (0,)), ((), ())),
        preferred_element_type=jnp.float32, precision=jax.lax.Precision.HIGHEST)
    d_row = jax.lax.broadcasted_iota(jnp.int32, (1, HALF), 1)
    merge_t = jnp.where((nidx == d_row) & (rank < float(R)), 1.0, 0.0)
    accum = jax.lax.dot_general(
        merge_t, a, (((0,), (0,)), ((), ())),
        preferred_element_type=jnp.float32, precision=jax.lax.Precision.HIGHEST)
    ones_col = jnp.ones((HALF, 1), dtype=jnp.float32)
    counts = jax.lax.dot_general(
        merge_t, ones_col, (((0,), (0,)), ((), ())),
        preferred_element_type=jnp.float32, precision=jax.lax.Precision.HIGHEST) + 1.0
    dst_ref[...] = (b + accum) / counts


def kernel(hidden_states, self_attention_scores, Wq, Wk, Wv, Wo):
    scores = self_attention_scores.reshape(H, L, L)
    imp_tc = pl.pallas_call(
        _importance_kernel,
        grid=(L // _ROWS, H - _HSC),
        in_specs=[pl.BlockSpec((1, _ROWS, L), lambda c, h: (h + _HSC, c, 0))],
        out_specs=pl.BlockSpec((1, L), lambda c, h: (0, 0)),
        out_shape=jax.ShapeDtypeStruct((1, L), jnp.float32),
    )(scores)
    partials = _sc_colsum(self_attention_scores.reshape(H * L, L))
    imp = imp_tc + jnp.sum(partials, axis=0, keepdims=True)

    hs = hidden_states.reshape(L, D)
    new_tok = pl.pallas_call(
        _select_mha_kernel,
        out_shape=jax.ShapeDtypeStruct((1, D), jnp.float32),
    )(imp, imp.reshape(L, 1), hs, Wq, Wk, Wv, Wo)

    a_t = hs[0::2]
    b_t = hs[1::2]
    an_t = a_t / jnp.linalg.norm(a_t, axis=-1, keepdims=True)
    bn_t = b_t / jnp.linalg.norm(b_t, axis=-1, keepdims=True)
    nmax, nidx = pl.pallas_call(
        _node_stats_kernel,
        grid=(HALF // _BCH,),
        in_specs=[
            pl.BlockSpec((_BCH, D), lambda c: (c, 0)),
            pl.BlockSpec((HALF, D), lambda c: (0, 0)),
        ],
        out_specs=[
            pl.BlockSpec((_BCH, 1), lambda c: (c, 0)),
            pl.BlockSpec((_BCH, 1), lambda c: (c, 0)),
        ],
        out_shape=[
            jax.ShapeDtypeStruct((HALF, 1), jnp.float32),
            jax.ShapeDtypeStruct((HALF, 1), jnp.int32),
        ],
    )(an_t, bn_t)

    unm, dst_m = pl.pallas_call(
        _merge_kernel,
        out_shape=[
            jax.ShapeDtypeStruct((UNM, D), jnp.float32),
            jax.ShapeDtypeStruct((HALF, D), jnp.float32),
        ],
    )(nmax, nmax.reshape(1, HALF), nidx, a_t, b_t)

    cls = hs[0:1, :]
    return jnp.concatenate(
        [cls[None], unm[None], dst_m[None], new_tok[None]], axis=1)

# --- scband reference (transcript-rebuilt; emitter-appended) ---
"""Pipeline reference for scband-router-quantile-25383256720095 (READ-ONLY COPY).

The authoritative reference and input builder live on the scoring server;
editing this copy changes nothing except your own understanding.
"""

import jax, jax.numpy as jnp
import numpy as np

B, L, D = 1, 2048, 1024
H = 16
K = 1536
NU = D // 2
NH = H // 2
HD = NU // NH
R = min(L - K, L // 2)


def setup_inputs(seed: int = 0):
    key = jax.random.key(seed)
    ks = jax.random.split(key, 6)
    hidden_states = jax.random.normal(ks[0], (B, L, D), dtype=jnp.float32)
    self_attention_scores = jax.random.normal(ks[1], (B, H, L, L), dtype=jnp.float32)
    Wq = jax.random.normal(ks[2], (D, NU), dtype=jnp.float32) / np.sqrt(D)
    Wk = jax.random.normal(ks[3], (D, NU), dtype=jnp.float32) / np.sqrt(D)
    Wv = jax.random.normal(ks[4], (D, NU), dtype=jnp.float32) / np.sqrt(D)
    Wo = jax.random.normal(ks[5], (NU, D), dtype=jnp.float32) / np.sqrt(NU)
    return {"hidden_states": hidden_states, "self_attention_scores": self_attention_scores,
            "Wq": Wq, "Wk": Wk, "Wv": Wv, "Wo": Wo}


def _mha(query, key_t, value, Wq, Wk, Wv, Wo):
    Bq, Lq, _ = query.shape
    Lk = key_t.shape[1]
    q = (query @ Wq).reshape(Bq, Lq, NH, HD).transpose(0, 2, 1, 3)
    k = (key_t @ Wk).reshape(Bq, Lk, NH, HD).transpose(0, 2, 1, 3)
    v = (value @ Wv).reshape(Bq, Lk, NH, HD).transpose(0, 2, 1, 3)
    att = jnp.einsum('bhqd,bhkd->bhqk', q, k) / jnp.sqrt(float(HD))
    w = jax.nn.softmax(att, axis=-1)
    out = jnp.einsum('bhqk,bhkd->bhqd', w, v)
    out = out.transpose(0, 2, 1, 3).reshape(Bq, Lq, NU) @ Wo
    return out, w.mean(axis=1)


def _bipartite_merge(hs):
    # ToMe bipartite_soft_matching(metric=hs, r=L-K), class_token=False; r capped at L//2
    metric = jax.lax.stop_gradient(hs)
    metric = metric / jnp.linalg.norm(metric, axis=-1, keepdims=True)
    a = metric[:, ::2, :]
    b = metric[:, 1::2, :]
    scores = jnp.einsum('bic,bjc->bij', a, b)
    node_max = scores.max(axis=-1)
    node_idx = scores.argmax(axis=-1)
    edge_idx = jnp.argsort(-node_max, axis=-1)
    unm_idx = edge_idx[:, R:]
    src_idx = edge_idx[:, :R]
    dst_idx = jnp.take_along_axis(node_idx, src_idx, axis=-1)
    src_t = hs[:, ::2, :]
    dst_t = hs[:, 1::2, :]
    unm = jnp.take_along_axis(src_t, unm_idx[:, :, None], axis=1)
    src_v = jnp.take_along_axis(src_t, src_idx[:, :, None], axis=1)

    def merge_one(dstb, idxb, srcb):
        # torch scatter_reduce(reduce='mean', include_self=True)
        sums = dstb.at[idxb].add(srcb)
        counts = jnp.ones((dstb.shape[0],), dtype=dstb.dtype).at[idxb].add(1.0)
        return sums / counts[:, None]

    dst_m = jax.vmap(merge_one)(dst_t, dst_idx, src_v)
    return jnp.concatenate([unm, dst_m], axis=1)


def reference(hidden_states, self_attention_scores, Wq, Wk, Wv, Wo):
    # attention_mask is None in this configuration
    class_token = hidden_states[:, :1, :]
    s = jax.lax.stop_gradient(self_attention_scores.mean(axis=1))  # [B, L, L]
    s = s * (1.0 - jnp.eye(L, dtype=s.dtype))  # zero the diagonal (self-attention removed)
    importance = s.sum(axis=1)  # [B, L]
    _, important_indices = jax.lax.top_k(importance, K)
    mask = jnp.zeros((B, L), dtype=jnp.float32).at[jnp.arange(B)[:, None], important_indices].set(1.0)
    preserved = _bipartite_merge(hidden_states)  # [B, K, D]
    sentences = hidden_states[:, :1, :]  # attention_mask is None branch
    unp_idx = jnp.argsort(mask, axis=1)[:, :L - K]  # stable sort: zeros (unpreserved) first, original order
    unpreserved = jnp.take_along_axis(hidden_states, unp_idx[:, :, None], axis=1)  # [B, L-K, D]
    new_token, _ = _mha(sentences, unpreserved, unpreserved, Wq, Wk, Wv, Wo)
    final_token = jnp.concatenate([class_token, preserved, new_token], axis=1)  # [B, K+2, D]
    return final_token

if __name__ == "__main__":
    import jax
    _d = setup_inputs()
    print(jax.jit(kernel)(*tuple(_d.values())))

</pallas_src>

<mosaic_0001>
#map = affine_map<(d0, d1) -> (0, 0)>
module attributes {stable_mosaic.version = 14 : i64} {
  func.func @_sc_colsum_body(%arg0: i32, %arg1: i32, %arg2: memref<32768x2048xf32, #tpu.memory_space<hbm>>, %arg3: memref<32x2048xf32, #tpu.memory_space<hbm>>, %arg4: memref<16x2048xf32, #tpu.memory_space<vmem>>, %arg5: memref<2048xf32, #tpu.memory_space<vmem>>, %arg6: memref<!tpu.dma_semaphore, #tpu.memory_space<semaphore_mem>>) attributes {dimension_semantics = [#tpu.dimension_semantics<core_parallel>, #tpu.dimension_semantics<subcore_parallel>], iteration_bounds = array<i64: 2, 16>, scalar_prefetch = 0 : i64, scratch_operands = 3 : i64, tpu.core_type = #tpu.core_type<sc_vector_subcore>, window_params = [{transform_indices = #map}, {transform_indices = #map}]} {
    %mul3A = arith.constant 2 : i32
    %mul3A_0 = arith.muli %arg1, %mul3A : i32
    %add3A = arith.addi %mul3A_0, %arg0 : i32
    %mul3A_1 = arith.constant 384 : i32
    %mul3A_2 = arith.muli %add3A, %mul3A_1 : i32
    %scan3A = arith.constant 0 : i32
    %scan3A_3 = arith.constant 0 : i32
    %scan3A_4 = arith.constant 128 : i32
    %scan3A_5 = arith.addi %scan3A_3, %scan3A_4 : i32
    %scan3A_6 = arith.constant 1 : i32
    %scan3A_7 = scf.for %scan3A_16 = %scan3A_3 to %scan3A_5 step %scan3A_6 iter_args(%scan3A_17 = %scan3A) -> (i32)  : i32 {
      %broadcast_in_dim3A = arith.constant 0.000000e+00 : f32
      %broadcast_in_dim3A_18 = vector.broadcast %broadcast_in_dim3A : f32 to vector<16xf32>
      %mul3A_19 = arith.constant 16 : i32
      %mul3A_20 = arith.muli %scan3A_16, %mul3A_19 : i32
      %swap3A = arith.index_cast %mul3A_20 : i32 to index
      %swap3A_21 = tpu.vector_load %arg5[%swap3A] {strides = array<i32>} : memref<2048xf32, #tpu.memory_space<vmem>>, vector<16xf32>,
      %swap3A_22 = vector.shape_cast %swap3A_21 : vector<16xf32> to vector<16xf32>
      %swap3A_23 = vector.shape_cast %broadcast_in_dim3A_18 : vector<16xf32> to vector<16xf32>
      tpu.vector_store %arg5[%swap3A], %swap3A_23 {strides = array<i32>} : memref<2048xf32, #tpu.memory_space<vmem>>, vector<16xf32>,
      %scan3A_24 = arith.constant 0 : i32
      scf.yield %scan3A_24 : i32
    }
    %scan3A_8 = arith.constant 128 : i32
    %iota3A = tpu.iota {dimensions = array<i32: 0>} : vector<16xi32>
    %scan3A_9 = arith.constant 0 : i32
    %scan3A_10 = arith.constant 0 : i32
    %scan3A_11 = arith.constant 24 : i32
    %scan3A_12 = arith.addi %scan3A_10, %scan3A_11 : i32
    %scan3A_13 = arith.constant 1 : i32
    %scan3A_14 = scf.for %scan3A_16 = %scan3A_10 to %scan3A_12 step %scan3A_13 iter_args(%scan3A_17 = %scan3A_9) -> (i32)  : i32 {
      %mul3A_18 = arith.constant 16 : i32
      %mul3A_19 = arith.muli %scan3A_16, %mul3A_18 : i32
      %add3A_20 = arith.addi %mul3A_2, %mul3A_19 : i32
      %dma_start3A = arith.constant 0 : i32
      %dma_start3A_21 = tpu.memref_slice %arg2[%add3A_20, %dma_start3A] : memref<32768x2048xf32, #tpu.memory_space<hbm>> -> memref<16x2048xf32, #tpu.memory_space<hbm>>
      %dma_start3A_22 = arith.constant 0 : i32
      %dma_start3A_23 = tpu.memref_slice %arg2[%add3A_20, %dma_start3A_22] : memref<32768x2048xf32, #tpu.memory_space<hbm>> -> memref<16x2048xf32, #tpu.memory_space<hbm>>
      tpu.enqueue_dma source(%dma_start3A_23 : memref<16x2048xf32, #tpu.memory_space<hbm>>) target(%arg4 : memref<16x2048xf32, #tpu.memory_space<vmem>>) target_semaphore(%arg6 : memref<!tpu.dma_semaphore, #tpu.memory_space<semaphore_mem>>)
      %dma_wait3A = arith.constant 0 : i32
      %dma_wait3A_24 = tpu.memref_slice %arg2[%add3A_20, %dma_wait3A] : memref<32768x2048xf32, #tpu.memory_space<hbm>> -> memref<16x2048xf32, #tpu.memory_space<hbm>>
      %dma_wait3A_25 = arith.constant 0 : i32
      %dma_wait3A_26 = tpu.memref_slice %arg2[%add3A_20, %dma_wait3A_25] : memref<32768x2048xf32, #tpu.memory_space<hbm>> -> memref<16x2048xf32, #tpu.memory_space<hbm>>
      tpu.wait_dma2 semaphore(%arg6 : memref<!tpu.dma_semaphore, #tpu.memory_space<semaphore_mem>>) src(%dma_wait3A_26 : memref<16x2048xf32, #tpu.memory_space<hbm>>) dst(%arg4 : memref<16x2048xf32, #tpu.memory_space<vmem>>)
      %scan3A_27 = arith.constant 0 : i32
      %scan3A_28 = arith.constant 0 : i32
      %scan3A_29 = arith.constant 128 : i32
      %scan3A_30 = arith.addi %scan3A_28, %scan3A_29 : i32
      %scan3A_31 = arith.constant 1 : i32
      %scan3A_32 = scf.for %scan3A_231 = %scan3A_28 to %scan3A_30 step %scan3A_31 iter_args(%scan3A_232 = %scan3A_27) -> (i32)  : i32 {
        %mul3A_233 = arith.constant 16 : i32
        %mul3A_234 = arith.muli %scan3A_231, %mul3A_233 : i32
        %get3A_235 = arith.index_cast %mul3A_234 : i32 to index
        %get3A_236 = tpu.vector_load %arg5[%get3A_235] {strides = array<i32>} : memref<2048xf32, #tpu.memory_space<vmem>>, vector<16xf32>,
        %get3A_237 = vector.shape_cast %get3A_236 : vector<16xf32> to vector<16xf32>
        %get3A_238 = arith.constant 0 : i32
        %get3A_239 = arith.index_cast %get3A_238 : i32 to index
        %get3A_240 = arith.index_cast %mul3A_234 : i32 to index
        %get3A_241 = tpu.vector_load %arg4[%get3A_239, %get3A_240] {strides = array<i32>} : memref<16x2048xf32, #tpu.memory_space<vmem>>, vector<1x16xf32>,
        %get3A_242 = vector.shape_cast %get3A_241 : vector<1x16xf32> to vector<16xf32>
        %add3A_243 = arith.addf %get3A_237, %get3A_242 : vector<16xf32>
        %get3A_244 = arith.constant 1 : i32
        %get3A_245 = arith.index_cast %get3A_244 : i32 to index
        %get3A_246 = arith.index_cast %mul3A_234 : i32 to index
        %get3A_247 = tpu.vector_load %arg4[%get3A_245, %get3A_246] {strides = array<i32>} : memref<16x2048xf32, #tpu.memory_space<vmem>>, vector<1x16xf32>,
        %get3A_248 = vector.shape_cast %get3A_247 : vector<1x16xf32> to vector<16xf32>
        %add3A_249 = arith.addf %add3A_243, %get3A_248 : vector<16xf32>
        %get3A_250 = arith.constant 2 : i32
        %get3A_251 = arith.index_cast %get3A_250 : i32 to index
        %get3A_252 = arith.index_cast %mul3A_234 : i32 to index
        %get3A_253 = tpu.vector_load %arg4[%get3A_251, %get3A_252] {strides = array<i32>} : memref<16x2048xf32, #tpu.memory_space<vmem>>, vector<1x16xf32>,
        %get3A_254 = vector.shape_cast %get3A_253 : vector<1x16xf32> to vector<16xf32>
        %add3A_255 = arith.addf %add3A_249, %get3A_254 : vector<16xf32>
        %get3A_256 = arith.constant 3 : i32
        %get3A_257 = arith.index_cast %get3A_256 : i32 to index
        %get3A_258 = arith.index_cast %mul3A_234 : i32 to index
        %get3A_259 = tpu.vector_load %arg4[%get3A_257, %get3A_258] {strides = array<i32>} : memref<16x2048xf32, #tpu.memory_space<vmem>>, vector<1x16xf32>,
        %get3A_260 = vector.shape_cast %get3A_259 : vector<1x16xf32> to vector<16xf32>
        %add3A_261 = arith.addf %add3A_255, %get3A_260 : vector<16xf32>
        %get3A_262 = arith.constant 4 : i32
        %get3A_263 = arith.index_cast %get3A_262 : i32 to index
        %get3A_264 = arith.index_cast %mul3A_234 : i32 to index
        %get3A_265 = tpu.vector_load %arg4[%get3A_263, %get3A_264] {strides = array<i32>} : memref<16x2048xf32, #tpu.memory_space<vmem>>, vector<1x16xf32>,
        %get3A_266 = vector.shape_cast %get3A_265 : vector<1x16xf32> to vector<16xf32>
        %add3A_267 = arith.addf %add3A_261, %get3A_266 : vector<16xf32>
        %get3A_268 = arith.constant 5 : i32
        %get3A_269 = arith.index_cast %get3A_268 : i32 to index
        %get3A_270 = arith.index_cast %mul3A_234 : i32 to index
        %get3A_271 = tpu.vector_load %arg4[%get3A_269, %get3A_270] {strides = array<i32>} : memref<16x2048xf32, #tpu.memory_space<vmem>>, vector<1x16xf32>,
        %get3A_272 = vector.shape_cast %get3A_271 : vector<1x16xf32> to vector<16xf32>
        %add3A_273 = arith.addf %add3A_267, %get3A_272 : vector<16xf32>
        %get3A_274 = arith.constant 6 : i32
        %get3A_275 = arith.index_cast %get3A_274 : i32 to index
        %get3A_276 = arith.index_cast %mul3A_234 : i32 to index
        %get3A_277 = tpu.vector_load %arg4[%get3A_275, %get3A_276] {strides = array<i32>} : memref<16x2048xf32, #tpu.memory_space<vmem>>, vector<1x16xf32>,
        %get3A_278 = vector.shape_cast %get3A_277 : vector<1x16xf32> to vector<16xf32>
        %add3A_279 = arith.addf %add3A_273, %get3A_278 : vector<16xf32>
        %get3A_280 = arith.constant 7 : i32
        %get3A_281 = arith.index_cast %get3A_280 : i32 to index
        %get3A_282 = arith.index_cast %mul3A_234 : i32 to index
        %get3A_283 = tpu.vector_load %arg4[%get3A_281, %get3A_282] {strides = array<i32>} : memref<16x2048xf32, #tpu.memory_space<vmem>>, vector<1x16xf32>,
        %get3A_284 = vector.shape_cast %get3A_283 : vector<1x16xf32> to vector<16xf32>
        %add3A_285 = arith.addf %add3A_279, %get3A_284 : vector<16xf32>
        %get3A_286 = arith.constant 8 : i32
        %get3A_287 = arith.index_cast %get3A_286 : i32 to index
        %get3A_288 = arith.index_cast %mul3A_234 : i32 to index
        %get3A_289 = tpu.vector_load %arg4[%get3A_287, %get3A_288] {strides = array<i32>} : memref<16x2048xf32, #tpu.memory_space<vmem>>, vector<1x16xf32>,
        %get3A_290 = vector.shape_cast %get3A_289 : vector<1x16xf32> to vector<16xf32>
        %add3A_291 = arith.addf %add3A_285, %get3A_290 : vector<16xf32>
        %get3A_292 = arith.constant 9 : i32
        %get3A_293 = arith.index_cast %get3A_292 : i32 to index
        %get3A_294 = arith.index_cast %mul3A_234 : i32 to index
        %get3A_295 = tpu.vector_load %arg4[%get3A_293, %get3A_294] {strides = array<i32>} : memref<16x2048xf32, #tpu.memory_space<vmem>>, vector<1x16xf32>,
        %get3A_296 = vector.shape_cast %get3A_295 : vector<1x16xf32> to vector<16xf32>
        %add3A_297 = arith.addf %add3A_291, %get3A_296 : vector<16xf32>
        %get3A_298 = arith.constant 10 : i32
        %get3A_299 = arith.index_cast %get3A_298 : i32 to index
        %get3A_300 = arith.index_cast %mul3A_234 : i32 to index
        %get3A_301 = tpu.vector_load %arg4[%get3A_299, %get3A_300] {strides = array<i32>} : memref<16x2048xf32, #tpu.memory_space<vmem>>, vector<1x16xf32>,
        %get3A_302 = vector.shape_cast %get3A_301 : vector<1x16xf32> to vector<16xf32>
        %add3A_303 = arith.addf %add3A_297, %get3A_302 : vector<16xf32>
        %get3A_304 = arith.constant 11 : i32
        %get3A_305 = arith.index_cast %get3A_304 : i32 to index
        %get3A_306 = arith.index_cast %mul3A_234 : i32 to index
        %get3A_307 = tpu.vector_load %arg4[%get3A_305, %get3A_306] {strides = array<i32>} : memref<16x2048xf32, #tpu.memory_space<vmem>>, vector<1x16xf32>,
        %get3A_308 = vector.shape_cast %get3A_307 : vector<1x16xf32> to vector<16xf32>
        %add3A_309 = arith.addf %add3A_303, %get3A_308 : vector<16xf32>
        %get3A_310 = arith.constant 12 : i32
        %get3A_311 = arith.index_cast %get3A_310 : i32 to index
        %get3A_312 = arith.index_cast %mul3A_234 : i32 to index
        %get3A_313 = tpu.vector_load %arg4[%get3A_311, %get3A_312] {strides = array<i32>} : memref<16x2048xf32, #tpu.memory_space<vmem>>, vector<1x16xf32>,
        %get3A_314 = vector.shape_cast %get3A_313 : vector<1x16xf32> to vector<16xf32>
        %add3A_315 = arith.addf %add3A_309, %get3A_314 : vector<16xf32>
        %get3A_316 = arith.constant 13 : i32
        %get3A_317 = arith.index_cast %get3A_316 : i32 to index
        %get3A_318 = arith.index_cast %mul3A_234 : i32 to index
        %get3A_319 = tpu.vector_load %arg4[%get3A_317, %get3A_318] {strides = array<i32>} : memref<16x2048xf32, #tpu.memory_space<vmem>>, vector<1x16xf32>,
        %get3A_320 = vector.shape_cast %get3A_319 : vector<1x16xf32> to vector<16xf32>
        %add3A_321 = arith.addf %add3A_315, %get3A_320 : vector<16xf32>
        %get3A_322 = arith.constant 14 : i32
        %get3A_323 = arith.index_cast %get3A_322 : i32 to index
        %get3A_324 = arith.index_cast %mul3A_234 : i32 to index
        %get3A_325 = tpu.vector_load %arg4[%get3A_323, %get3A_324] {strides = array<i32>} : memref<16x2048xf32, #tpu.memory_space<vmem>>, vector<1x16xf32>,
        %get3A_326 = vector.shape_cast %get3A_325 : vector<1x16xf32> to vector<16xf32>
        %add3A_327 = arith.addf %add3A_321, %get3A_326 : vector<16xf32>
        %get3A_328 = arith.constant 15 : i32
        %get3A_329 = arith.index_cast %get3A_328 : i32 to index
        %get3A_330 = arith.index_cast %mul3A_234 : i32 to index
        %get3A_331 = tpu.vector_load %arg4[%get3A_329, %get3A_330] {strides = array<i32>} : memref<16x2048xf32, #tpu.memory_space<vmem>>, vector<1x16xf32>,
        %get3A_332 = vector.shape_cast %get3A_331 : vector<1x16xf32> to vector<16xf32>
        %add3A_333 = arith.addf %add3A_327, %get3A_332 : vector<16xf32>
        %swap3A_334 = arith.index_cast %mul3A_234 : i32 to index
        %swap3A_335 = tpu.vector_load %arg5[%swap3A_334] {strides = array<i32>} : memref<2048xf32, #tpu.memory_space<vmem>>, vector<16xf32>,
        %swap3A_336 = vector.shape_cast %swap3A_335 : vector<16xf32> to vector<16xf32>
        %swap3A_337 = vector.shape_cast %add3A_333 : vector<16xf32> to vector<16xf32>
        tpu.vector_store %arg5[%swap3A_334], %swap3A_337 {strides = array<i32>} : memref<2048xf32, #tpu.memory_space<vmem>>, vector<16xf32>,
        %scan3A_338 = arith.constant 0 : i32
        scf.yield %scan3A_338 : i32
      }
      %scan3A_33 = arith.constant 128 : i32
      %rem3A = arith.constant 2048 : i32
      %rem3A_34 = arith.remsi %add3A_20, %rem3A : i32
      %broadcast_in_dim3A = arith.constant 0.000000e+00 : f32
      %broadcast_in_dim3A_35 = vector.broadcast %broadcast_in_dim3A : f32 to vector<16xf32>
      %get3A = arith.constant 0 : i32
      %get3A_36 = arith.index_cast %get3A : i32 to index
      %get3A_37 = arith.index_cast %rem3A_34 : i32 to index
      %get3A_38 = tpu.vector_load %arg4[%get3A_36, %get3A_37] {strides = array<i32>} : memref<16x2048xf32, #tpu.memory_space<vmem>>, vector<1x16xf32>,
      %get3A_39 = vector.shape_cast %get3A_38 : vector<1x16xf32> to vector<16xf32>
      %eq3A = arith.constant 0 : i32
      %eq3A_40 = vector.broadcast %eq3A : i32 to vector<16xi32>
      %eq3A_41 = arith.cmpi eq, %iota3A, %eq3A_40 : vector<16xi32>
      %jit3A = arith.constant 0.000000e+00 : f32
      %broadcast_in_dim3A_42 = vector.broadcast %jit3A : f32 to vector<16xf32>
      %select_n3A = arith.select %eq3A_41, %get3A_39, %broadcast_in_dim3A_42 : vector<16xi1>, vector<16xf32>
      %add3A_43 = arith.addf %broadcast_in_dim3A_35, %select_n3A : vector<16xf32>
      %get3A_44 = arith.constant 1 : i32
      %get3A_45 = arith.index_cast %get3A_44 : i32 to index
      %get3A_46 = arith.index_cast %rem3A_34 : i32 to index
      %get3A_47 = tpu.vector_load %arg4[%get3A_45, %get3A_46] {strides = array<i32>} : memref<16x2048xf32, #tpu.memory_space<vmem>>, vector<1x16xf32>,
      %get3A_48 = vector.shape_cast %get3A_47 : vector<1x16xf32> to vector<16xf32>
      %eq3A_49 = arith.constant 1 : i32
      %eq3A_50 = vector.broadcast %eq3A_49 : i32 to vector<16xi32>
      %eq3A_51 = arith.cmpi eq, %iota3A, %eq3A_50 : vector<16xi32>
      %jit3A_52 = arith.constant 0.000000e+00 : f32
      %broadcast_in_dim3A_53 = vector.broadcast %jit3A_52 : f32 to vector<16xf32>
      %select_n3A_54 = arith.select %eq3A_51, %get3A_48, %broadcast_in_dim3A_53 : vector<16xi1>, vector<16xf32>
      %add3A_55 = arith.addf %add3A_43, %select_n3A_54 : vector<16xf32>
      %get3A_56 = arith.constant 2 : i32
      %get3A_57 = arith.index_cast %get3A_56 : i32 to index
      %get3A_58 = arith.index_cast %rem3A_34 : i32 to index
      %get3A_59 = tpu.vector_load %arg4[%get3A_57, %get3A_58] {strides = array<i32>} : memref<16x2048xf32, #tpu.memory_space<vmem>>, vector<1x16xf32>,
      %get3A_60 = vector.shape_cast %get3A_59 : vector<1x16xf32> to vector<16xf32>
      %eq3A_61 = arith.constant 2 : i32
      %eq3A_62 = vector.broadcast %eq3A_61 : i32 to vector<16xi32>
      %eq3A_63 = arith.cmpi eq, %iota3A, %eq3A_62 : vector<16xi32>
      %jit3A_64 = arith.constant 0.000000e+00 : f32
      %broadcast_in_dim3A_65 = vector.broadcast %jit3A_64 : f32 to vector<16xf32>
      %select_n3A_66 = arith.select %eq3A_63, %get3A_60, %broadcast_in_dim3A_65 : vector<16xi1>, vector<16xf32>
      %add3A_67 = arith.addf %add3A_55, %select_n3A_66 : vector<16xf32>
      %get3A_68 = arith.constant 3 : i32
      %get3A_69 = arith.index_cast %get3A_68 : i32 to index
      %get3A_70 = arith.index_cast %rem3A_34 : i32 to index
      %get3A_71 = tpu.vector_load %arg4[%get3A_69, %get3A_70] {strides = array<i32>} : memref<16x2048xf32, #tpu.memory_space<vmem>>, vector<1x16xf32>,
      %get3A_72 = vector.shape_cast %get3A_71 : vector<1x16xf32> to vector<16xf32>
      %eq3A_73 = arith.constant 3 : i32
      %eq3A_74 = vector.broadcast %eq3A_73 : i32 to vector<16xi32>
      %eq3A_75 = arith.cmpi eq, %iota3A, %eq3A_74 : vector<16xi32>
      %jit3A_76 = arith.constant 0.000000e+00 : f32
      %broadcast_in_dim3A_77 = vector.broadcast %jit3A_76 : f32 to vector<16xf32>
      %select_n3A_78 = arith.select %eq3A_75, %get3A_72, %broadcast_in_dim3A_77 : vector<16xi1>, vector<16xf32>
      %add3A_79 = arith.addf %add3A_67, %select_n3A_78 : vector<16xf32>
      %get3A_80 = arith.constant 4 : i32
      %get3A_81 = arith.index_cast %get3A_80 : i32 to index
      %get3A_82 = arith.index_cast %rem3A_34 : i32 to index
      %get3A_83 = tpu.vector_load %arg4[%get3A_81, %get3A_82] {strides = array<i32>} : memref<16x2048xf32, #tpu.memory_space<vmem>>, vector<1x16xf32>,
      %get3A_84 = vector.shape_cast %get3A_83 : vector<1x16xf32> to vector<16xf32>
      %eq3A_85 = arith.constant 4 : i32
      %eq3A_86 = vector.broadcast %eq3A_85 : i32 to vector<16xi32>
      %eq3A_87 = arith.cmpi eq, %iota3A, %eq3A_86 : vector<16xi32>
      %jit3A_88 = arith.constant 0.000000e+00 : f32
      %broadcast_in_dim3A_89 = vector.broadcast %jit3A_88 : f32 to vector<16xf32>
      %select_n3A_90 = arith.select %eq3A_87, %get3A_84, %broadcast_in_dim3A_89 : vector<16xi1>, vector<16xf32>
      %add3A_91 = arith.addf %add3A_79, %select_n3A_90 : vector<16xf32>
      %get3A_92 = arith.constant 5 : i32
      %get3A_93 = arith.index_cast %get3A_92 : i32 to index
      %get3A_94 = arith.index_cast %rem3A_34 : i32 to index
      %get3A_95 = tpu.vector_load %arg4[%get3A_93, %get3A_94] {strides = array<i32>} : memref<16x2048xf32, #tpu.memory_space<vmem>>, vector<1x16xf32>,
      %get3A_96 = vector.shape_cast %get3A_95 : vector<1x16xf32> to vector<16xf32>
      %eq3A_97 = arith.constant 5 : i32
      %eq3A_98 = vector.broadcast %eq3A_97 : i32 to vector<16xi32>
      %eq3A_99 = arith.cmpi eq, %iota3A, %eq3A_98 : vector<16xi32>
      %jit3A_100 = arith.constant 0.000000e+00 : f32
      %broadcast_in_dim3A_101 = vector.broadcast %jit3A_100 : f32 to vector<16xf32>
      %select_n3A_102 = arith.select %eq3A_99, %get3A_96, %broadcast_in_dim3A_101 : vector<16xi1>, vector<16xf32>
      %add3A_103 = arith.addf %add3A_91, %select_n3A_102 : vector<16xf32>
      %get3A_104 = arith.constant 6 : i32
      %get3A_105 = arith.index_cast %get3A_104 : i32 to index
      %get3A_106 = arith.index_cast %rem3A_34 : i32 to index
      %get3A_107 = tpu.vector_load %arg4[%get3A_105, %get3A_106] {strides = array<i32>} : memref<16x2048xf32, #tpu.memory_space<vmem>>, vector<1x16xf32>,
      %get3A_108 = vector.shape_cast %get3A_107 : vector<1x16xf32> to vector<16xf32>
      %eq3A_109 = arith.constant 6 : i32
      %eq3A_110 = vector.broadcast %eq3A_109 : i32 to vector<16xi32>
      %eq3A_111 = arith.cmpi eq, %iota3A, %eq3A_110 : vector<16xi32>
      %jit3A_112 = arith.constant 0.000000e+00 : f32
      %broadcast_in_dim3A_113 = vector.broadcast %jit3A_112 : f32 to vector<16xf32>
      %select_n3A_114 = arith.select %eq3A_111, %get3A_108, %broadcast_in_dim3A_113 : vector<16xi1>, vector<16xf32>
      %add3A_115 = arith.addf %add3A_103, %select_n3A_114 : vector<16xf32>
      %get3A_116 = arith.constant 7 : i32
      %get3A_117 = arith.index_cast %get3A_116 : i32 to index
      %get3A_118 = arith.index_cast %rem3A_34 : i32 to index
      %get3A_119 = tpu.vector_load %arg4[%get3A_117, %get3A_118] {strides = array<i32>} : memref<16x2048xf32, #tpu.memory_space<vmem>>, vector<1x16xf32>,
      %get3A_120 = vector.shape_cast %get3A_119 : vector<1x16xf32> to vector<16xf32>
      %eq3A_121 = arith.constant 7 : i32
      %eq3A_122 = vector.broadcast %eq3A_121 : i32 to vector<16xi32>
      %eq3A_123 = arith.cmpi eq, %iota3A, %eq3A_122 : vector<16xi32>
      %jit3A_124 = arith.constant 0.000000e+00 : f32
      %broadcast_in_dim3A_125 = vector.broadcast %jit3A_124 : f32 to vector<16xf32>
      %select_n3A_126 = arith.select %eq3A_123, %get3A_120, %broadcast_in_dim3A_125 : vector<16xi1>, vector<16xf32>
      %add3A_127 = arith.addf %add3A_115, %select_n3A_126 : vector<16xf32>
      %get3A_128 = arith.constant 8 : i32
      %get3A_129 = arith.index_cast %get3A_128 : i32 to index
      %get3A_130 = arith.index_cast %rem3A_34 : i32 to index
      %get3A_131 = tpu.vector_load %arg4[%get3A_129, %get3A_130] {strides = array<i32>} : memref<16x2048xf32, #tpu.memory_space<vmem>>, vector<1x16xf32>,
      %get3A_132 = vector.shape_cast %get3A_131 : vector<1x16xf32> to vector<16xf32>
      %eq3A_133 = arith.constant 8 : i32
      %eq3A_134 = vector.broadcast %eq3A_133 : i32 to vector<16xi32>
      %eq3A_135 = arith.cmpi eq, %iota3A, %eq3A_134 : vector<16xi32>
      %jit3A_136 = arith.constant 0.000000e+00 : f32
      %broadcast_in_dim3A_137 = vector.broadcast %jit3A_136 : f32 to vector<16xf32>
      %select_n3A_138 = arith.select %eq3A_135, %get3A_132, %broadcast_in_dim3A_137 : vector<16xi1>, vector<16xf32>
      %add3A_139 = arith.addf %add3A_127, %select_n3A_138 : vector<16xf32>
      %get3A_140 = arith.constant 9 : i32
      %get3A_141 = arith.index_cast %get3A_140 : i32 to index
      %get3A_142 = arith.index_cast %rem3A_34 : i32 to index
      %get3A_143 = tpu.vector_load %arg4[%get3A_141, %get3A_142] {strides = array<i32>} : memref<16x2048xf32, #tpu.memory_space<vmem>>, vector<1x16xf32>,
      %get3A_144 = vector.shape_cast %get3A_143 : vector<1x16xf32> to vector<16xf32>
      %eq3A_145 = arith.constant 9 : i32
      %eq3A_146 = vector.broadcast %eq3A_145 : i32 to vector<16xi32>
      %eq3A_147 = arith.cmpi eq, %iota3A, %eq3A_146 : vector<16xi32>
      %jit3A_148 = arith.constant 0.000000e+00 : f32
      %broadcast_in_dim3A_149 = vector.broadcast %jit3A_148 : f32 to vector<16xf32>
      %select_n3A_150 = arith.select %eq3A_147, %get3A_144, %broadcast_in_dim3A_149 : vector<16xi1>, vector<16xf32>
      %add3A_151 = arith.addf %add3A_139, %select_n3A_150 : vector<16xf32>
      %get3A_152 = arith.constant 10 : i32
      %get3A_153 = arith.index_cast %get3A_152 : i32 to index
      %get3A_154 = arith.index_cast %rem3A_34 : i32 to index
      %get3A_155 = tpu.vector_load %arg4[%get3A_153, %get3A_154] {strides = array<i32>} : memref<16x2048xf32, #tpu.memory_space<vmem>>, vector<1x16xf32>,
      %get3A_156 = vector.shape_cast %get3A_155 : vector<1x16xf32> to vector<16xf32>
      %eq3A_157 = arith.constant 10 : i32
      %eq3A_158 = vector.broadcast %eq3A_157 : i32 to vector<16xi32>
      %eq3A_159 = arith.cmpi eq, %iota3A, %eq3A_158 : vector<16xi32>
      %jit3A_160 = arith.constant 0.000000e+00 : f32
      %broadcast_in_dim3A_161 = vector.broadcast %jit3A_160 : f32 to vector<16xf32>
      %select_n3A_162 = arith.select %eq3A_159, %get3A_156, %broadcast_in_dim3A_161 : vector<16xi1>, vector<16xf32>
      %add3A_163 = arith.addf %add3A_151, %select_n3A_162 : vector<16xf32>
      %get3A_164 = arith.constant 11 : i32
      %get3A_165 = arith.index_cast %get3A_164 : i32 to index
      %get3A_166 = arith.index_cast %rem3A_34 : i32 to index
      %get3A_167 = tpu.vector_load %arg4[%get3A_165, %get3A_166] {strides = array<i32>} : memref<16x2048xf32, #tpu.memory_space<vmem>>, vector<1x16xf32>,
      %get3A_168 = vector.shape_cast %get3A_167 : vector<1x16xf32> to vector<16xf32>
      %eq3A_169 = arith.constant 11 : i32
      %eq3A_170 = vector.broadcast %eq3A_169 : i32 to vector<16xi32>
      %eq3A_171 = arith.cmpi eq, %iota3A, %eq3A_170 : vector<16xi32>
      %jit3A_172 = arith.constant 0.000000e+00 : f32
      %broadcast_in_dim3A_173 = vector.broadcast %jit3A_172 : f32 to vector<16xf32>
      %select_n3A_174 = arith.select %eq3A_171, %get3A_168, %broadcast_in_dim3A_173 : vector<16xi1>, vector<16xf32>
      %add3A_175 = arith.addf %add3A_163, %select_n3A_174 : vector<16xf32>
      %get3A_176 = arith.constant 12 : i32
      %get3A_177 = arith.index_cast %get3A_176 : i32 to index
      %get3A_178 = arith.index_cast %rem3A_34 : i32 to index
      %get3A_179 = tpu.vector_load %arg4[%get3A_177, %get3A_178] {strides = array<i32>} : memref<16x2048xf32, #tpu.memory_space<vmem>>, vector<1x16xf32>,
      %get3A_180 = vector.shape_cast %get3A_179 : vector<1x16xf32> to vector<16xf32>
      %eq3A_181 = arith.constant 12 : i32
      %eq3A_182 = vector.broadcast %eq3A_181 : i32 to vector<16xi32>
      %eq3A_183 = arith.cmpi eq, %iota3A, %eq3A_182 : vector<16xi32>
      %jit3A_184 = arith.constant 0.000000e+00 : f32
      %broadcast_in_dim3A_185 = vector.broadcast %jit3A_184 : f32 to vector<16xf32>
      %select_n3A_186 = arith.select %eq3A_183, %get3A_180, %broadcast_in_dim3A_185 : vector<16xi1>, vector<16xf32>
      %add3A_187 = arith.addf %add3A_175, %select_n3A_186 : vector<16xf32>
      %get3A_188 = arith.constant 13 : i32
      %get3A_189 = arith.index_cast %get3A_188 : i32 to index
      %get3A_190 = arith.index_cast %rem3A_34 : i32 to index
      %get3A_191 = tpu.vector_load %arg4[%get3A_189, %get3A_190] {strides = array<i32>} : memref<16x2048xf32, #tpu.memory_space<vmem>>, vector<1x16xf32>,
      %get3A_192 = vector.shape_cast %get3A_191 : vector<1x16xf32> to vector<16xf32>
      %eq3A_193 = arith.constant 13 : i32
      %eq3A_194 = vector.broadcast %eq3A_193 : i32 to vector<16xi32>
      %eq3A_195 = arith.cmpi eq, %iota3A, %eq3A_194 : vector<16xi32>
      %jit3A_196 = arith.constant 0.000000e+00 : f32
      %broadcast_in_dim3A_197 = vector.broadcast %jit3A_196 : f32 to vector<16xf32>
      %select_n3A_198 = arith.select %eq3A_195, %get3A_192, %broadcast_in_dim3A_197 : vector<16xi1>, vector<16xf32>
      %add3A_199 = arith.addf %add3A_187, %select_n3A_198 : vector<16xf32>
      %get3A_200 = arith.constant 14 : i32
      %get3A_201 = arith.index_cast %get3A_200 : i32 to index
      %get3A_202 = arith.index_cast %rem3A_34 : i32 to index
      %get3A_203 = tpu.vector_load %arg4[%get3A_201, %get3A_202] {strides = array<i32>} : memref<16x2048xf32, #tpu.memory_space<vmem>>, vector<1x16xf32>,
      %get3A_204 = vector.shape_cast %get3A_203 : vector<1x16xf32> to vector<16xf32>
      %eq3A_205 = arith.constant 14 : i32
      %eq3A_206 = vector.broadcast %eq3A_205 : i32 to vector<16xi32>
      %eq3A_207 = arith.cmpi eq, %iota3A, %eq3A_206 : vector<16xi32>
      %jit3A_208 = arith.constant 0.000000e+00 : f32
      %broadcast_in_dim3A_209 = vector.broadcast %jit3A_208 : f32 to vector<16xf32>
      %select_n3A_210 = arith.select %eq3A_207, %get3A_204, %broadcast_in_dim3A_209 : vector<16xi1>, vector<16xf32>
      %add3A_211 = arith.addf %add3A_199, %select_n3A_210 : vector<16xf32>
      %get3A_212 = arith.constant 15 : i32
      %get3A_213 = arith.index_cast %get3A_212 : i32 to index
      %get3A_214 = arith.index_cast %rem3A_34 : i32 to index
      %get3A_215 = tpu.vector_load %arg4[%get3A_213, %get3A_214] {strides = array<i32>} : memref<16x2048xf32, #tpu.memory_space<vmem>>, vector<1x16xf32>,
      %get3A_216 = vector.shape_cast %get3A_215 : vector<1x16xf32> to vector<16xf32>
      %eq3A_217 = arith.constant 15 : i32
      %eq3A_218 = vector.broadcast %eq3A_217 : i32 to vector<16xi32>
      %eq3A_219 = arith.cmpi eq, %iota3A, %eq3A_218 : vector<16xi32>
      %jit3A_220 = arith.constant 0.000000e+00 : f32
      %broadcast_in_dim3A_221 = vector.broadcast %jit3A_220 : f32 to vector<16xf32>
      %select_n3A_222 = arith.select %eq3A_219, %get3A_216, %broadcast_in_dim3A_221 : vector<16xi1>, vector<16xf32>
      %add3A_223 = arith.addf %add3A_211, %select_n3A_222 : vector<16xf32>
      %get3A_224 = arith.index_cast %rem3A_34 : i32 to index
      %get3A_225 = tpu.vector_load %arg5[%get3A_224] {strides = array<i32>} : memref<2048xf32, #tpu.memory_space<vmem>>, vector<16xf32>,
      %get3A_226 = vector.shape_cast %get3A_225 : vector<16xf32> to vector<16xf32>
      %sub3A = arith.subf %get3A_226, %add3A_223 : vector<16xf32>
      %swap3A = arith.index_cast %rem3A_34 : i32 to index
      %swap3A_227 = tpu.vector_load %arg5[%swap3A] {strides = array<i32>} : memref<2048xf32, #tpu.memory_space<vmem>>, vector<16xf32>,
      %swap3A_228 = vector.shape_cast %swap3A_227 : vector<16xf32> to vector<16xf32>
      %swap3A_229 = vector.shape_cast %sub3A : vector<16xf32> to vector<16xf32>
      tpu.vector_store %arg5[%swap3A], %swap3A_229 {strides = array<i32>} : memref<2048xf32, #tpu.memory_space<vmem>>, vector<16xf32>,
      %scan3A_230 = arith.constant 0 : i32
      scf.yield %scan3A_230 : i32
    }
    %scan3A_15 = arith.constant 24 : i32
    "tpu.region"() ({
      %run_scoped3A = tpu.sem_alloc : memref<!tpu.dma_semaphore, #tpu.memory_space<semaphore_mem>>
      %dma_start3A = arith.constant 0 : i32
      %dma_start3A_16 = tpu.memref_slice %arg3[%add3A, %dma_start3A] : memref<32x2048xf32, #tpu.memory_space<hbm>> -> memref<1x2048xf32, #tpu.memory_space<hbm>>
      %dma_start3A_17 = tpu.memref_squeeze %dma_start3A_16 : memref<1x2048xf32, #tpu.memory_space<hbm>> -> memref<2048xf32, #tpu.memory_space<hbm>>
      %dma_start3A_18 = arith.constant 0 : i32
      %dma_start3A_19 = tpu.memref_slice %arg3[%add3A, %dma_start3A_18] : memref<32x2048xf32, #tpu.memory_space<hbm>> -> memref<1x2048xf32, #tpu.memory_space<hbm>>
      %dma_start3A_20 = tpu.memref_squeeze %dma_start3A_19 : memref<1x2048xf32, #tpu.memory_space<hbm>> -> memref<2048xf32, #tpu.memory_space<hbm>>
      tpu.enqueue_dma source(%arg5 : memref<2048xf32, #tpu.memory_space<vmem>>) target(%dma_start3A_20 : memref<2048xf32, #tpu.memory_space<hbm>>) target_semaphore(%run_scoped3A : memref<!tpu.dma_semaphore, #tpu.memory_space<semaphore_mem>>)
      %dma_wait3A = arith.constant 0 : i32
      %dma_wait3A_21 = tpu.memref_slice %arg3[%add3A, %dma_wait3A] : memref<32x2048xf32, #tpu.memory_space<hbm>> -> memref<1x2048xf32, #tpu.memory_space<hbm>>
      %dma_wait3A_22 = tpu.memref_squeeze %dma_wait3A_21 : memref<1x2048xf32, #tpu.memory_space<hbm>> -> memref<2048xf32, #tpu.memory_space<hbm>>
      %dma_wait3A_23 = arith.constant 0 : i32
      %dma_wait3A_24 = tpu.memref_slice %arg3[%add3A, %dma_wait3A_23] : memref<32x2048xf32, #tpu.memory_space<hbm>> -> memref<1x2048xf32, #tpu.memory_space<hbm>>
      %dma_wait3A_25 = tpu.memref_squeeze %dma_wait3A_24 : memref<1x2048xf32, #tpu.memory_space<hbm>> -> memref<2048xf32, #tpu.memory_space<hbm>>
      tpu.wait_dma2 semaphore(%run_scoped3A : memref<!tpu.dma_semaphore, #tpu.memory_space<semaphore_mem>>) src(%arg5 : memref<2048xf32, #tpu.memory_space<vmem>>) dst(%dma_wait3A_25 : memref<2048xf32, #tpu.memory_space<hbm>>)
      tpu.yield
    }) : () -> ()
    return
  }
}

module attributes {stable_mosaic.version = 14 : i64} {
  func.func @_importance_kernel(%arg0: i32, %arg1: i32, %arg2: memref<1x1024x2048xf32, #tpu.memory_space<vmem>>, %arg3: memref<1x2048xf32, #tpu.memory_space<vmem>>) attributes {dimension_semantics = [#tpu.dimension_semantics<arbitrary>, #tpu.dimension_semantics<arbitrary>], iteration_bounds = array<i64: 2, 10>, scalar_prefetch = 0 : i64, scratch_operands = 0 : i64, tpu.core_type = #tpu.core_type<tc>, window_params = [{transform_indices = @transform_0, window_bounds = array<i64: 1, 1024, 2048>}, {pipeline_mode = #tpu.pipeline_mode<synchronous>, transform_indices = @transform_1, window_bounds = array<i64: 1, 2048>}]} {
    %get3A = arith.constant 0 : index
    %get3A_0 = arith.constant 0 : index
    %get3A_1 = arith.constant 0 : index
    %get3A_2 = vector.load %arg2[%get3A, %get3A_0, %get3A_1] : memref<1x1024x2048xf32, #tpu.memory_space<vmem>>, vector<1x1024x2048xf32>
    %get3A_3 = vector.shape_cast %get3A_2 : vector<1x1024x2048xf32> to vector<1024x2048xf32>
    %iota3A = tpu.iota {dimensions = array<i32: 1>} : vector<1024x2048xi32>
    %iota3A_4 = tpu.iota {dimensions = array<i32: 0>} : vector<1024x2048xi32>
    %sub3A = arith.subi %iota3A, %iota3A_4 : vector<1024x2048xi32>
    %mul3A = arith.constant 1024 : i32
    %mul3A_5 = arith.muli %arg0, %mul3A : i32
    %eq3A = vector.broadcast %mul3A_5 : i32 to vector<1024x2048xi32>
    %eq3A_6 = arith.cmpi eq, %sub3A, %eq3A : vector<1024x2048xi32>
    %jit3A = arith.constant 0.000000e+00 : f32
    %broadcast_in_dim3A = vector.broadcast %jit3A : f32 to vector<1024x2048xf32>
    %select_n3A = arith.select %eq3A_6, %broadcast_in_dim3A, %get3A_3 : vector<1024x2048xi1>, vector<1024x2048xf32>
    %convert_element_type3A = arith.truncf %select_n3A : vector<1024x2048xf32> to vector<1024x2048xbf16>
    %broadcast_in_dim3A_7 = arith.constant 1.000000e+00 : bf16
    %broadcast_in_dim3A_8 = vector.broadcast %broadcast_in_dim3A_7 : bf16 to vector<1x1024xbf16>
    %dot_general3A = arith.constant dense<0.000000e+00> : vector<1x2048xf32>
    %dot_general3A_9 = tpu.matmul %broadcast_in_dim3A_8, %convert_element_type3A, %dot_general3A {dimension_numbers = #tpu.dot_dimension_numbers<[1], [0], [0], [1], [0, 0, 1, 1], [], []>, transpose_lhs_hint = false} : vector<1x1024xbf16>, vector<1024x2048xbf16>, vector<1x2048xf32> -> vector<1x2048xf32>
    %eq3A_10 = arith.constant 0 : i32
    %eq3A_11 = arith.cmpi eq, %arg0, %eq3A_10 : i32
    %eq3A_12 = arith.constant 0 : i32
    %eq3A_13 = arith.cmpi eq, %arg1, %eq3A_12 : i32
    %and3A = arith.andi %eq3A_11, %eq3A_13 : i1
    %convert_element_type3A_14 = arith.extui %and3A : i1 to i32
    %cond3A = arith.constant 0 : i32
    %cond3A_15 = arith.cmpi ne, %convert_element_type3A_14, %cond3A : i32
    scf.if %cond3A_15 {
      %swap3A = arith.constant 0 : index
      %swap3A_25 = arith.constant 0 : index
      %swap3A_26 = vector.load %arg3[%swap3A, %swap3A_25] : memref<1x2048xf32, #tpu.memory_space<vmem>>, vector<1x2048xf32>
      tpu.vector_store %arg3[%swap3A, %swap3A_25], %dot_general3A_9 {strides = array<i32>} : memref<1x2048xf32, #tpu.memory_space<vmem>>, vector<1x2048xf32>,
    } else {
    }
    %eq3A_16 = arith.constant 0 : i32
    %eq3A_17 = arith.cmpi eq, %arg0, %eq3A_16 : i32
    %eq3A_18 = arith.constant 0 : i32
    %eq3A_19 = arith.cmpi eq, %arg1, %eq3A_18 : i32
    %and3A_20 = arith.andi %eq3A_17, %eq3A_19 : i1
    %not3A = arith.constant true
    %not3A_21 = arith.xori %and3A_20, %not3A : i1
    %convert_element_type3A_22 = arith.extui %not3A_21 : i1 to i32
    %cond3A_23 = arith.constant 0 : i32
    %cond3A_24 = arith.cmpi ne, %convert_element_type3A_22, %cond3A_23 : i32
    scf.if %cond3A_24 {
      %get3A_25 = arith.constant 0 : index
      %get3A_26 = arith.constant 0 : index
      %get3A_27 = vector.load %arg3[%get3A_25, %get3A_26] : memref<1x2048xf32, #tpu.memory_space<vmem>>, vector<1x2048xf32>
      %add3A = arith.addf %get3A_27, %dot_general3A_9 : vector<1x2048xf32>
      %swap3A = arith.constant 0 : index
      %swap3A_28 = arith.constant 0 : index
      %swap3A_29 = vector.load %arg3[%swap3A, %swap3A_28] : memref<1x2048xf32, #tpu.memory_space<vmem>>, vector<1x2048xf32>
      tpu.vector_store %arg3[%swap3A, %swap3A_28], %add3A {strides = array<i32>} : memref<1x2048xf32, #tpu.memory_space<vmem>>, vector<1x2048xf32>,
    } else {
    }
    return
  }
  func.func @transform_0(%arg0: i32, %arg1: i32) -> (i32, i32, i32) {
    %add3A = arith.constant 6 : i32
    %add3A_0 = arith.addi %arg1, %add3A : i32
    %c0_i32 = arith.constant 0 : i32
    %c0_i32_1 = arith.constant 0 : i32
    return %add3A_0, %arg0, %c0_i32 : i32, i32, i32
  }
  func.func @transform_1(%arg0: i32, %arg1: i32) -> (i32, i32) {
    %c0_i32 = arith.constant 0 : i32
    %c0_i32_0 = arith.constant 0 : i32
    %c0_i32_1 = arith.constant 0 : i32
    return %c0_i32, %c0_i32_0 : i32, i32
  }
}

module attributes {stable_mosaic.version = 14 : i64} {
  func.func @_node_stats_kernel(%arg0: i32, %arg1: memref<256x1024xf32, #tpu.memory_space<vmem>>, %arg2: memref<1024x1024xf32, #tpu.memory_space<vmem>>, %arg3: memref<256x1xf32, #tpu.memory_space<vmem>>, %arg4: memref<256x1xi32, #tpu.memory_space<vmem>>) attributes {dimension_semantics = [#tpu.dimension_semantics<arbitrary>], iteration_bounds = array<i64: 4>, scalar_prefetch = 0 : i64, scratch_operands = 0 : i64, tpu.core_type = #tpu.core_type<tc>, window_params = [{transform_indices = @transform_0, window_bounds = array<i64: 256, 1024>}, {pipeline_mode = #tpu.pipeline_mode<synchronous>, transform_indices = @transform_1, window_bounds = array<i64: 1024, 1024>}, {transform_indices = @transform_2, window_bounds = array<i64: 256, 1>}, {transform_indices = @transform_3, window_bounds = array<i64: 256, 1>}]} {
    %get3A = arith.constant 0 : index
    %get3A_0 = arith.constant 0 : index
    %get3A_1 = vector.load %arg1[%get3A, %get3A_0] : memref<256x1024xf32, #tpu.memory_space<vmem>>, vector<256x1024xf32>
    %get3A_2 = arith.constant 0 : index
    %get3A_3 = arith.constant 0 : index
    %get3A_4 = vector.load %arg2[%get3A_2, %get3A_3] : memref<1024x1024xf32, #tpu.memory_space<vmem>>, vector<1024x1024xf32>
    %convert_element_type3A = arith.truncf %get3A_1 : vector<256x1024xf32> to vector<256x1024xbf16>
    %convert_element_type3A_5 = arith.truncf %get3A_4 : vector<1024x1024xf32> to vector<1024x1024xbf16>
    %dot_general3A = arith.constant dense<0.000000e+00> : vector<256x1024xf32>
    %dot_general3A_6 = tpu.matmul %convert_element_type3A, %convert_element_type3A_5, %dot_general3A {dimension_numbers = #tpu.dot_dimension_numbers<[1], [1], [0], [0], [0, 0, 1, 0], [], []>, transpose_lhs_hint = false} : vector<256x1024xbf16>, vector<1024x1024xbf16>, vector<256x1024xf32> -> vector<256x1024xf32>
    %reduce_max3A = arith.constant dense<0xFF800000> : vector<256xf32>
    %reduce_max3A_7 = vector.multi_reduction <maximumf>, %dot_general3A_6, %reduce_max3A [1] : vector<256x1024xf32> to vector<256xf32>
    %broadcast_in_dim3A = vector.shape_cast %reduce_max3A_7 : vector<256xf32> to vector<256x1xf32>
    %iota3A = tpu.iota {dimensions = array<i32: 1>} : vector<1x1024xi32>
    %eq3A = vector.broadcast %broadcast_in_dim3A : vector<256x1xf32> to vector<256x1024xf32>
    %eq3A_8 = arith.cmpf oeq, %dot_general3A_6, %eq3A : vector<256x1024xf32>
    %jit3A = arith.constant 1024 : i32
    %broadcast_in_dim3A_9 = vector.shape_cast %iota3A : vector<1x1024xi32> to vector<1x1024xi32>
    %broadcast_in_dim3A_10 = vector.broadcast %broadcast_in_dim3A_9 : vector<1x1024xi32> to vector<256x1024xi32>
    %broadcast_in_dim3A_11 = vector.broadcast %jit3A : i32 to vector<256x1024xi32>
    %select_n3A = arith.select %eq3A_8, %broadcast_in_dim3A_10, %broadcast_in_dim3A_11 : vector<256x1024xi1>, vector<256x1024xi32>
    %reduce_min3A = arith.constant dense<2147483647> : vector<256xi32>
    %reduce_min3A_12 = vector.multi_reduction <minsi>, %select_n3A, %reduce_min3A [1] : vector<256x1024xi32> to vector<256xi32>
    %broadcast_in_dim3A_13 = vector.shape_cast %reduce_min3A_12 : vector<256xi32> to vector<256x1xi32>
    %swap3A = arith.constant 0 : index
    %swap3A_14 = arith.constant 0 : index
    %swap3A_15 = vector.load %arg3[%swap3A, %swap3A_14] : memref<256x1xf32, #tpu.memory_space<vmem>>, vector<256x1xf32>
    tpu.vector_store %arg3[%swap3A, %swap3A_14], %broadcast_in_dim3A {strides = array<i32>} : memref<256x1xf32, #tpu.memory_space<vmem>>, vector<256x1xf32>,
    %swap3A_16 = arith.constant 0 : index
    %swap3A_17 = arith.constant 0 : index
    %swap3A_18 = vector.load %arg4[%swap3A_16, %swap3A_17] : memref<256x1xi32, #tpu.memory_space<vmem>>, vector<256x1xi32>
    tpu.vector_store %arg4[%swap3A_16, %swap3A_17], %broadcast_in_dim3A_13 {strides = array<i32>} : memref<256x1xi32, #tpu.memory_space<vmem>>, vector<256x1xi32>,
    return
  }
  func.func @transform_0(%arg0: i32) -> (i32, i32) {
    %c0_i32 = arith.constant 0 : i32
    %c0_i32_0 = arith.constant 0 : i32
    return %arg0, %c0_i32 : i32, i32
  }
  func.func @transform_1(%arg0: i32) -> (i32, i32) {
    %c0_i32 = arith.constant 0 : i32
    %c0_i32_0 = arith.constant 0 : i32
    %c0_i32_1 = arith.constant 0 : i32
    return %c0_i32, %c0_i32_0 : i32, i32
  }
  func.func @transform_2(%arg0: i32) -> (i32, i32) {
    %c0_i32 = arith.constant 0 : i32
    %c0_i32_0 = arith.constant 0 : i32
    return %arg0, %c0_i32 : i32, i32
  }
  func.func @transform_3(%arg0: i32) -> (i32, i32) {
    %c0_i32 = arith.constant 0 : i32
    %c0_i32_0 = arith.constant 0 : i32
    return %arg0, %c0_i32 : i32, i32
  }
}

module attributes {stable_mosaic.version = 14 : i64} {
  func.func @_merge_kernel(%arg0: memref<1024x1xf32, #tpu.memory_space<vmem>>, %arg1: memref<1x1024xf32, #tpu.memory_space<vmem>>, %arg2: memref<1024x1xi32, #tpu.memory_space<vmem>>, %arg3: memref<1024x1024xf32, #tpu.memory_space<vmem>>, %arg4: memref<1024x1024xf32, #tpu.memory_space<vmem>>, %arg5: memref<512x1024xf32, #tpu.memory_space<vmem>>, %arg6: memref<1024x1024xf32, #tpu.memory_space<vmem>>) attributes {dimension_semantics = [], scalar_prefetch = 0 : i64, scratch_operands = 0 : i64, tpu.core_type = #tpu.core_type<tc>} {
    %get3A = arith.constant 0 : index
    %get3A_0 = arith.constant 0 : index
    %get3A_1 = vector.load %arg0[%get3A, %get3A_0] : memref<1024x1xf32, #tpu.memory_space<vmem>>, vector<1024x1xf32>
    %get3A_2 = arith.constant 0 : index
    %get3A_3 = arith.constant 0 : index
    %get3A_4 = vector.load %arg1[%get3A_2, %get3A_3] : memref<1x1024xf32, #tpu.memory_space<vmem>>, vector<1x1024xf32>
    %broadcast_in_dim3A = arith.constant 0.000000e+00 : f32
    %broadcast_in_dim3A_5 = vector.broadcast %broadcast_in_dim3A : f32 to vector<1024x1xf32>
    %iota3A = tpu.iota {dimensions = array<i32: 0>} : vector<1024x1xi32>
    %slice3A = vector.extract_strided_slice %get3A_4 {offsets = [0, 0], sizes = [1, 256], strides = [1, 1]} : vector<1x1024xf32> to vector<1x256xf32>
    %iota3A_6 = tpu.iota {dimensions = array<i32: 1>} : vector<1x256xi32>
    %add3A = arith.constant 0 : i32
    %add3A_7 = vector.broadcast %add3A : i32 to vector<1x256xi32>
    %add3A_8 = arith.addi %iota3A_6, %add3A_7 : vector<1x256xi32>
    %gt3A = vector.broadcast %slice3A : vector<1x256xf32> to vector<1024x256xf32>
    %gt3A_9 = vector.broadcast %get3A_1 : vector<1024x1xf32> to vector<1024x256xf32>
    %gt3A_10 = arith.cmpf ogt, %gt3A, %gt3A_9 : vector<1024x256xf32>
    %eq3A = vector.broadcast %slice3A : vector<1x256xf32> to vector<1024x256xf32>
    %eq3A_11 = vector.broadcast %get3A_1 : vector<1024x1xf32> to vector<1024x256xf32>
    %eq3A_12 = arith.cmpf oeq, %eq3A, %eq3A_11 : vector<1024x256xf32>
    %lt3A = vector.broadcast %add3A_8 : vector<1x256xi32> to vector<1024x256xi32>
    %lt3A_13 = vector.broadcast %iota3A : vector<1024x1xi32> to vector<1024x256xi32>
    %lt3A_14 = arith.cmpi slt, %lt3A, %lt3A_13 : vector<1024x256xi32>
    %and3A = arith.andi %eq3A_12, %lt3A_14 : vector<1024x256xi1>
    %or3A = arith.ori %gt3A_10, %and3A : vector<1024x256xi1>
    %convert_element_type3A = arith.extui %or3A : vector<1024x256xi1> to vector<1024x256xi32>
    %convert_element_type3A_15 = arith.sitofp %convert_element_type3A : vector<1024x256xi32> to vector<1024x256xf32>
    %reduce_sum3A = arith.constant dense<0.000000e+00> : vector<1024xf32>
    %reduce_sum3A_16 = vector.multi_reduction <add>, %convert_element_type3A_15, %reduce_sum3A [1] : vector<1024x256xf32> to vector<1024xf32>
    %broadcast_in_dim3A_17 = vector.shape_cast %reduce_sum3A_16 : vector<1024xf32> to vector<1024x1xf32>
    %add3A_18 = arith.addf %broadcast_in_dim3A_5, %broadcast_in_dim3A_17 : vector<1024x1xf32>
    %slice3A_19 = vector.extract_strided_slice %get3A_4 {offsets = [0, 256], sizes = [1, 256], strides = [1, 1]} : vector<1x1024xf32> to vector<1x256xf32>
    %iota3A_20 = tpu.iota {dimensions = array<i32: 1>} : vector<1x256xi32>
    %add3A_21 = arith.constant 256 : i32
    %add3A_22 = vector.broadcast %add3A_21 : i32 to vector<1x256xi32>
    %add3A_23 = arith.addi %iota3A_20, %add3A_22 : vector<1x256xi32>
    %gt3A_24 = vector.broadcast %slice3A_19 : vector<1x256xf32> to vector<1024x256xf32>
    %gt3A_25 = vector.broadcast %get3A_1 : vector<1024x1xf32> to vector<1024x256xf32>
    %gt3A_26 = arith.cmpf ogt, %gt3A_24, %gt3A_25 : vector<1024x256xf32>
    %eq3A_27 = vector.broadcast %slice3A_19 : vector<1x256xf32> to vector<1024x256xf32>
    %eq3A_28 = vector.broadcast %get3A_1 : vector<1024x1xf32> to vector<1024x256xf32>
    %eq3A_29 = arith.cmpf oeq, %eq3A_27, %eq3A_28 : vector<1024x256xf32>
    %lt3A_30 = vector.broadcast %add3A_23 : vector<1x256xi32> to vector<1024x256xi32>
    %lt3A_31 = vector.broadcast %iota3A : vector<1024x1xi32> to vector<1024x256xi32>
    %lt3A_32 = arith.cmpi slt, %lt3A_30, %lt3A_31 : vector<1024x256xi32>
    %and3A_33 = arith.andi %eq3A_29, %lt3A_32 : vector<1024x256xi1>
    %or3A_34 = arith.ori %gt3A_26, %and3A_33 : vector<1024x256xi1>
    %convert_element_type3A_35 = arith.extui %or3A_34 : vector<1024x256xi1> to vector<1024x256xi32>
    %convert_element_type3A_36 = arith.sitofp %convert_element_type3A_35 : vector<1024x256xi32> to vector<1024x256xf32>
    %reduce_sum3A_37 = arith.constant dense<0.000000e+00> : vector<1024xf32>
    %reduce_sum3A_38 = vector.multi_reduction <add>, %convert_element_type3A_36, %reduce_sum3A_37 [1] : vector<1024x256xf32> to vector<1024xf32>
    %broadcast_in_dim3A_39 = vector.shape_cast %reduce_sum3A_38 : vector<1024xf32> to vector<1024x1xf32>
    %add3A_40 = arith.addf %add3A_18, %broadcast_in_dim3A_39 : vector<1024x1xf32>
    %slice3A_41 = vector.extract_strided_slice %get3A_4 {offsets = [0, 512], sizes = [1, 256], strides = [1, 1]} : vector<1x1024xf32> to vector<1x256xf32>
    %iota3A_42 = tpu.iota {dimensions = array<i32: 1>} : vector<1x256xi32>
    %add3A_43 = arith.constant 512 : i32
    %add3A_44 = vector.broadcast %add3A_43 : i32 to vector<1x256xi32>
    %add3A_45 = arith.addi %iota3A_42, %add3A_44 : vector<1x256xi32>
    %gt3A_46 = vector.broadcast %slice3A_41 : vector<1x256xf32> to vector<1024x256xf32>
    %gt3A_47 = vector.broadcast %get3A_1 : vector<1024x1xf32> to vector<1024x256xf32>
    %gt3A_48 = arith.cmpf ogt, %gt3A_46, %gt3A_47 : vector<1024x256xf32>
    %eq3A_49 = vector.broadcast %slice3A_41 : vector<1x256xf32> to vector<1024x256xf32>
    %eq3A_50 = vector.broadcast %get3A_1 : vector<1024x1xf32> to vector<1024x256xf32>
    %eq3A_51 = arith.cmpf oeq, %eq3A_49, %eq3A_50 : vector<1024x256xf32>
    %lt3A_52 = vector.broadcast %add3A_45 : vector<1x256xi32> to vector<1024x256xi32>
    %lt3A_53 = vector.broadcast %iota3A : vector<1024x1xi32> to vector<1024x256xi32>
    %lt3A_54 = arith.cmpi slt, %lt3A_52, %lt3A_53 : vector<1024x256xi32>
    %and3A_55 = arith.andi %eq3A_51, %lt3A_54 : vector<1024x256xi1>
    %or3A_56 = arith.ori %gt3A_48, %and3A_55 : vector<1024x256xi1>
    %convert_element_type3A_57 = arith.extui %or3A_56 : vector<1024x256xi1> to vector<1024x256xi32>
    %convert_element_type3A_58 = arith.sitofp %convert_element_type3A_57 : vector<1024x256xi32> to vector<1024x256xf32>
    %reduce_sum3A_59 = arith.constant dense<0.000000e+00> : vector<1024xf32>
    %reduce_sum3A_60 = vector.multi_reduction <add>, %convert_element_type3A_58, %reduce_sum3A_59 [1] : vector<1024x256xf32> to vector<1024xf32>
    %broadcast_in_dim3A_61 = vector.shape_cast %reduce_sum3A_60 : vector<1024xf32> to vector<1024x1xf32>
    %add3A_62 = arith.addf %add3A_40, %broadcast_in_dim3A_61 : vector<1024x1xf32>
    %slice3A_63 = vector.extract_strided_slice %get3A_4 {offsets = [0, 768], sizes = [1, 256], strides = [1, 1]} : vector<1x1024xf32> to vector<1x256xf32>
    %iota3A_64 = tpu.iota {dimensions = array<i32: 1>} : vector<1x256xi32>
    %add3A_65 = arith.constant 768 : i32
    %add3A_66 = vector.broadcast %add3A_65 : i32 to vector<1x256xi32>
    %add3A_67 = arith.addi %iota3A_64, %add3A_66 : vector<1x256xi32>
    %gt3A_68 = vector.broadcast %slice3A_63 : vector<1x256xf32> to vector<1024x256xf32>
    %gt3A_69 = vector.broadcast %get3A_1 : vector<1024x1xf32> to vector<1024x256xf32>
    %gt3A_70 = arith.cmpf ogt, %gt3A_68, %gt3A_69 : vector<1024x256xf32>
    %eq3A_71 = vector.broadcast %slice3A_63 : vector<1x256xf32> to vector<1024x256xf32>
    %eq3A_72 = vector.broadcast %get3A_1 : vector<1024x1xf32> to vector<1024x256xf32>
    %eq3A_73 = arith.cmpf oeq, %eq3A_71, %eq3A_72 : vector<1024x256xf32>
    %lt3A_74 = vector.broadcast %add3A_67 : vector<1x256xi32> to vector<1024x256xi32>
    %lt3A_75 = vector.broadcast %iota3A : vector<1024x1xi32> to vector<1024x256xi32>
    %lt3A_76 = arith.cmpi slt, %lt3A_74, %lt3A_75 : vector<1024x256xi32>
    %and3A_77 = arith.andi %eq3A_73, %lt3A_76 : vector<1024x256xi1>
    %or3A_78 = arith.ori %gt3A_70, %and3A_77 : vector<1024x256xi1>
    %convert_element_type3A_79 = arith.extui %or3A_78 : vector<1024x256xi1> to vector<1024x256xi32>
    %convert_element_type3A_80 = arith.sitofp %convert_element_type3A_79 : vector<1024x256xi32> to vector<1024x256xf32>
    %reduce_sum3A_81 = arith.constant dense<0.000000e+00> : vector<1024xf32>
    %reduce_sum3A_82 = vector.multi_reduction <add>, %convert_element_type3A_80, %reduce_sum3A_81 [1] : vector<1024x256xf32> to vector<1024xf32>
    %broadcast_in_dim3A_83 = vector.shape_cast %reduce_sum3A_82 : vector<1024xf32> to vector<1024x1xf32>
    %add3A_84 = arith.addf %add3A_62, %broadcast_in_dim3A_83 : vector<1024x1xf32>
    %get3A_85 = arith.constant 0 : index
    %get3A_86 = arith.constant 0 : index
    %get3A_87 = vector.load %arg2[%get3A_85, %get3A_86] : memref<1024x1xi32, #tpu.memory_space<vmem>>, vector<1024x1xi32>
    %get3A_88 = arith.constant 0 : index
    %get3A_89 = arith.constant 0 : index
    %get3A_90 = vector.load %arg3[%get3A_88, %get3A_89] : memref<1024x1024xf32, #tpu.memory_space<vmem>>, vector<1024x1024xf32>
    %get3A_91 = arith.constant 0 : index
    %get3A_92 = arith.constant 0 : index
    %get3A_93 = vector.load %arg4[%get3A_91, %get3A_92] : memref<1024x1024xf32, #tpu.memory_space<vmem>>, vector<1024x1024xf32>
    %iota3A_94 = tpu.iota {dimensions = array<i32: 1>} : vector<1x512xi32>
    %convert_element_type3A_95 = arith.sitofp %iota3A_94 : vector<1x512xi32> to vector<1x512xf32>
    %sub3A = arith.constant 5.120000e+02 : f32
    %sub3A_96 = vector.broadcast %sub3A : f32 to vector<1024x1xf32>
    %sub3A_97 = arith.subf %add3A_84, %sub3A_96 : vector<1024x1xf32>
    %eq3A_98 = vector.broadcast %sub3A_97 : vector<1024x1xf32> to vector<1024x512xf32>
    %eq3A_99 = vector.broadcast %convert_element_type3A_95 : vector<1x512xf32> to vector<1024x512xf32>
    %eq3A_100 = arith.cmpf oeq, %eq3A_98, %eq3A_99 : vector<1024x512xf32>
    %jit3A = arith.constant 1.000000e+00 : f32
    %jit3A_101 = arith.constant 0.000000e+00 : f32
    %broadcast_in_dim3A_102 = vector.broadcast %jit3A : f32 to vector<1024x512xf32>
    %broadcast_in_dim3A_103 = vector.broadcast %jit3A_101 : f32 to vector<1024x512xf32>
    %select_n3A = arith.select %eq3A_100, %broadcast_in_dim3A_102, %broadcast_in_dim3A_103 : vector<1024x512xi1>, vector<1024x512xf32>
    %dot_general3A = arith.constant dense<0.000000e+00> : vector<512x1024xf32>
    %dot_general3A_104 = tpu.matmul %select_n3A, %get3A_90, %dot_general3A {dimension_numbers = #tpu.dot_dimension_numbers<[0], [0], [1], [1], [0, 1, 1, 1], [], []>, precision = #tpu.contract_precision<fp32>, transpose_lhs_hint = false} : vector<1024x512xf32>, vector<1024x1024xf32>, vector<512x1024xf32> -> vector<512x1024xf32>
    %swap3A = arith.constant 0 : index
    %swap3A_105 = arith.constant 0 : index
    %swap3A_106 = vector.load %arg5[%swap3A, %swap3A_105] : memref<512x1024xf32, #tpu.memory_space<vmem>>, vector<512x1024xf32>
    tpu.vector_store %arg5[%swap3A, %swap3A_105], %dot_general3A_104 {strides = array<i32>} : memref<512x1024xf32, #tpu.memory_space<vmem>>, vector<512x1024xf32>,
    %iota3A_107 = tpu.iota {dimensions = array<i32: 1>} : vector<1x1024xi32>
    %eq3A_108 = vector.broadcast %get3A_87 : vector<1024x1xi32> to vector<1024x1024xi32>
    %eq3A_109 = vector.broadcast %iota3A_107 : vector<1x1024xi32> to vector<1024x1024xi32>
    %eq3A_110 = arith.cmpi eq, %eq3A_108, %eq3A_109 : vector<1024x1024xi32>
    %lt3A_111 = arith.constant 5.120000e+02 : f32
    %lt3A_112 = vector.broadcast %lt3A_111 : f32 to vector<1024x1xf32>
    %lt3A_113 = arith.cmpf olt, %add3A_84, %lt3A_112 : vector<1024x1xf32>
    %and3A_114 = vector.broadcast %lt3A_113 : vector<1024x1xi1> to vector<1024x1024xi1>
    %and3A_115 = arith.andi %eq3A_110, %and3A_114 : vector<1024x1024xi1>
    %jit3A_116 = arith.constant 1.000000e+00 : f32
    %jit3A_117 = arith.constant 0.000000e+00 : f32
    %broadcast_in_dim3A_118 = vector.broadcast %jit3A_116 : f32 to vector<1024x1024xf32>
    %broadcast_in_dim3A_119 = vector.broadcast %jit3A_117 : f32 to vector<1024x1024xf32>
    %select_n3A_120 = arith.select %and3A_115, %broadcast_in_dim3A_118, %broadcast_in_dim3A_119 : vector<1024x1024xi1>, vector<1024x1024xf32>
    %dot_general3A_121 = arith.constant dense<0.000000e+00> : vector<1024x1024xf32>
    %dot_general3A_122 = tpu.matmul %select_n3A_120, %get3A_90, %dot_general3A_121 {dimension_numbers = #tpu.dot_dimension_numbers<[0], [0], [1], [1], [0, 1, 1, 1], [], []>, precision = #tpu.contract_precision<fp32>, transpose_lhs_hint = false} : vector<1024x1024xf32>, vector<1024x1024xf32>, vector<1024x1024xf32> -> vector<1024x1024xf32>
    %broadcast_in_dim3A_123 = arith.constant 1.000000e+00 : f32
    %broadcast_in_dim3A_124 = vector.broadcast %broadcast_in_dim3A_123 : f32 to vector<1024x1xf32>
    %dot_general3A_125 = arith.constant dense<0.000000e+00> : vector<1024x1xf32>
    %dot_general3A_126 = tpu.matmul %select_n3A_120, %broadcast_in_dim3A_124, %dot_general3A_125 {dimension_numbers = #tpu.dot_dimension_numbers<[0], [0], [1], [1], [0, 1, 1, 1], [], []>, precision = #tpu.contract_precision<fp32>, transpose_lhs_hint = false} : vector<1024x1024xf32>, vector<1024x1xf32>, vector<1024x1xf32> -> vector<1024x1xf32>
    %add3A_127 = arith.constant 1.000000e+00 : f32
    %add3A_128 = vector.broadcast %add3A_127 : f32 to vector<1024x1xf32>
    %add3A_129 = arith.addf %dot_general3A_126, %add3A_128 : vector<1024x1xf32>
    %add3A_130 = arith.addf %get3A_93, %dot_general3A_122 : vector<1024x1024xf32>
    %div3A = vector.broadcast %add3A_129 : vector<1024x1xf32> to vector<1024x1024xf32>
    %div3A_131 = arith.divf %add3A_130, %div3A : vector<1024x1024xf32>
    %swap3A_132 = arith.constant 0 : index
    %swap3A_133 = arith.constant 0 : index
    %swap3A_134 = vector.load %arg6[%swap3A_132, %swap3A_133] : memref<1024x1024xf32, #tpu.memory_space<vmem>>, vector<1024x1024xf32>
    tpu.vector_store %arg6[%swap3A_132, %swap3A_133], %div3A_131 {strides = array<i32>} : memref<1024x1024xf32, #tpu.memory_space<vmem>>, vector<1024x1024xf32>,
    return
  }
}

module attributes {stable_mosaic.version = 14 : i64} {
  func.func @_select_mha_kernel(%arg0: memref<1x2048xf32, #tpu.memory_space<vmem>>, %arg1: memref<2048x1xf32, #tpu.memory_space<vmem>>, %arg2: memref<2048x1024xf32, #tpu.memory_space<vmem>>, %arg3: memref<1024x512xf32, #tpu.memory_space<vmem>>, %arg4: memref<1024x512xf32, #tpu.memory_space<vmem>>, %arg5: memref<1024x512xf32, #tpu.memory_space<vmem>>, %arg6: memref<512x1024xf32, #tpu.memory_space<vmem>>, %arg7: memref<1x1024xf32, #tpu.memory_space<vmem>>) attributes {dimension_semantics = [], scalar_prefetch = 0 : i64, scratch_operands = 0 : i64, tpu.core_type = #tpu.core_type<tc>} {
    %get3A = arith.constant 0 : index
    %get3A_0 = arith.constant 0 : index
    %get3A_1 = vector.load %arg0[%get3A, %get3A_0] : memref<1x2048xf32, #tpu.memory_space<vmem>>, vector<1x2048xf32>
    %get3A_2 = arith.constant 0 : index
    %get3A_3 = arith.constant 0 : index
    %get3A_4 = vector.load %arg1[%get3A_2, %get3A_3] : memref<2048x1xf32, #tpu.memory_space<vmem>>, vector<2048x1xf32>
    %broadcast_in_dim3A = arith.constant 0.000000e+00 : f32
    %broadcast_in_dim3A_5 = vector.broadcast %broadcast_in_dim3A : f32 to vector<1x2048xf32>
    %iota3A = tpu.iota {dimensions = array<i32: 1>} : vector<1x2048xi32>
    %slice3A = vector.extract_strided_slice %get3A_4 {offsets = [0, 0], sizes = [256, 1], strides = [1, 1]} : vector<2048x1xf32> to vector<256x1xf32>
    %iota3A_6 = tpu.iota {dimensions = array<i32: 0>} : vector<256x1xi32>
    %add3A = arith.constant 0 : i32
    %add3A_7 = vector.broadcast %add3A : i32 to vector<256x1xi32>
    %add3A_8 = arith.addi %iota3A_6, %add3A_7 : vector<256x1xi32>
    %gt3A = vector.broadcast %slice3A : vector<256x1xf32> to vector<256x2048xf32>
    %gt3A_9 = vector.broadcast %get3A_1 : vector<1x2048xf32> to vector<256x2048xf32>
    %gt3A_10 = arith.cmpf ogt, %gt3A, %gt3A_9 : vector<256x2048xf32>
    %eq3A = vector.broadcast %slice3A : vector<256x1xf32> to vector<256x2048xf32>
    %eq3A_11 = vector.broadcast %get3A_1 : vector<1x2048xf32> to vector<256x2048xf32>
    %eq3A_12 = arith.cmpf oeq, %eq3A, %eq3A_11 : vector<256x2048xf32>
    %lt3A = vector.broadcast %add3A_8 : vector<256x1xi32> to vector<256x2048xi32>
    %lt3A_13 = vector.broadcast %iota3A : vector<1x2048xi32> to vector<256x2048xi32>
    %lt3A_14 = arith.cmpi slt, %lt3A, %lt3A_13 : vector<256x2048xi32>
    %and3A = arith.andi %eq3A_12, %lt3A_14 : vector<256x2048xi1>
    %or3A = arith.ori %gt3A_10, %and3A : vector<256x2048xi1>
    %convert_element_type3A = arith.extui %or3A : vector<256x2048xi1> to vector<256x2048xi32>
    %convert_element_type3A_15 = arith.sitofp %convert_element_type3A : vector<256x2048xi32> to vector<256x2048xf32>
    %reduce_sum3A = arith.constant dense<0.000000e+00> : vector<2048xf32>
    %reduce_sum3A_16 = vector.multi_reduction <add>, %convert_element_type3A_15, %reduce_sum3A [0] : vector<256x2048xf32> to vector<2048xf32>
    %broadcast_in_dim3A_17 = vector.shape_cast %reduce_sum3A_16 : vector<2048xf32> to vector<1x2048xf32>
    %add3A_18 = arith.addf %broadcast_in_dim3A_5, %broadcast_in_dim3A_17 : vector<1x2048xf32>
    %slice3A_19 = vector.extract_strided_slice %get3A_4 {offsets = [256, 0], sizes = [256, 1], strides = [1, 1]} : vector<2048x1xf32> to vector<256x1xf32>
    %iota3A_20 = tpu.iota {dimensions = array<i32: 0>} : vector<256x1xi32>
    %add3A_21 = arith.constant 256 : i32
    %add3A_22 = vector.broadcast %add3A_21 : i32 to vector<256x1xi32>
    %add3A_23 = arith.addi %iota3A_20, %add3A_22 : vector<256x1xi32>
    %gt3A_24 = vector.broadcast %slice3A_19 : vector<256x1xf32> to vector<256x2048xf32>
    %gt3A_25 = vector.broadcast %get3A_1 : vector<1x2048xf32> to vector<256x2048xf32>
    %gt3A_26 = arith.cmpf ogt, %gt3A_24, %gt3A_25 : vector<256x2048xf32>
    %eq3A_27 = vector.broadcast %slice3A_19 : vector<256x1xf32> to vector<256x2048xf32>
    %eq3A_28 = vector.broadcast %get3A_1 : vector<1x2048xf32> to vector<256x2048xf32>
    %eq3A_29 = arith.cmpf oeq, %eq3A_27, %eq3A_28 : vector<256x2048xf32>
    %lt3A_30 = vector.broadcast %add3A_23 : vector<256x1xi32> to vector<256x2048xi32>
    %lt3A_31 = vector.broadcast %iota3A : vector<1x2048xi32> to vector<256x2048xi32>
    %lt3A_32 = arith.cmpi slt, %lt3A_30, %lt3A_31 : vector<256x2048xi32>
    %and3A_33 = arith.andi %eq3A_29, %lt3A_32 : vector<256x2048xi1>
    %or3A_34 = arith.ori %gt3A_26, %and3A_33 : vector<256x2048xi1>
    %convert_element_type3A_35 = arith.extui %or3A_34 : vector<256x2048xi1> to vector<256x2048xi32>
    %convert_element_type3A_36 = arith.sitofp %convert_element_type3A_35 : vector<256x2048xi32> to vector<256x2048xf32>
    %reduce_sum3A_37 = arith.constant dense<0.000000e+00> : vector<2048xf32>
    %reduce_sum3A_38 = vector.multi_reduction <add>, %convert_element_type3A_36, %reduce_sum3A_37 [0] : vector<256x2048xf32> to vector<2048xf32>
    %broadcast_in_dim3A_39 = vector.shape_cast %reduce_sum3A_38 : vector<2048xf32> to vector<1x2048xf32>
    %add3A_40 = arith.addf %add3A_18, %broadcast_in_dim3A_39 : vector<1x2048xf32>
    %slice3A_41 = vector.extract_strided_slice %get3A_4 {offsets = [512, 0], sizes = [256, 1], strides = [1, 1]} : vector<2048x1xf32> to vector<256x1xf32>
    %iota3A_42 = tpu.iota {dimensions = array<i32: 0>} : vector<256x1xi32>
    %add3A_43 = arith.constant 512 : i32
    %add3A_44 = vector.broadcast %add3A_43 : i32 to vector<256x1xi32>
    %add3A_45 = arith.addi %iota3A_42, %add3A_44 : vector<256x1xi32>
    %gt3A_46 = vector.broadcast %slice3A_41 : vector<256x1xf32> to vector<256x2048xf32>
    %gt3A_47 = vector.broadcast %get3A_1 : vector<1x2048xf32> to vector<256x2048xf32>
    %gt3A_48 = arith.cmpf ogt, %gt3A_46, %gt3A_47 : vector<256x2048xf32>
    %eq3A_49 = vector.broadcast %slice3A_41 : vector<256x1xf32> to vector<256x2048xf32>
    %eq3A_50 = vector.broadcast %get3A_1 : vector<1x2048xf32> to vector<256x2048xf32>
    %eq3A_51 = arith.cmpf oeq, %eq3A_49, %eq3A_50 : vector<256x2048xf32>
    %lt3A_52 = vector.broadcast %add3A_45 : vector<256x1xi32> to vector<256x2048xi32>
    %lt3A_53 = vector.broadcast %iota3A : vector<1x2048xi32> to vector<256x2048xi32>
    %lt3A_54 = arith.cmpi slt, %lt3A_52, %lt3A_53 : vector<256x2048xi32>
    %and3A_55 = arith.andi %eq3A_51, %lt3A_54 : vector<256x2048xi1>
    %or3A_56 = arith.ori %gt3A_48, %and3A_55 : vector<256x2048xi1>
    %convert_element_type3A_57 = arith.extui %or3A_56 : vector<256x2048xi1> to vector<256x2048xi32>
    %convert_element_type3A_58 = arith.sitofp %convert_element_type3A_57 : vector<256x2048xi32> to vector<256x2048xf32>
    %reduce_sum3A_59 = arith.constant dense<0.000000e+00> : vector<2048xf32>
    %reduce_sum3A_60 = vector.multi_reduction <add>, %convert_element_type3A_58, %reduce_sum3A_59 [0] : vector<256x2048xf32> to vector<2048xf32>
    %broadcast_in_dim3A_61 = vector.shape_cast %reduce_sum3A_60 : vector<2048xf32> to vector<1x2048xf32>
    %add3A_62 = arith.addf %add3A_40, %broadcast_in_dim3A_61 : vector<1x2048xf32>
    %slice3A_63 = vector.extract_strided_slice %get3A_4 {offsets = [768, 0], sizes = [256, 1], strides = [1, 1]} : vector<2048x1xf32> to vector<256x1xf32>
    %iota3A_64 = tpu.iota {dimensions = array<i32: 0>} : vector<256x1xi32>
    %add3A_65 = arith.constant 768 : i32
    %add3A_66 = vector.broadcast %add3A_65 : i32 to vector<256x1xi32>
    %add3A_67 = arith.addi %iota3A_64, %add3A_66 : vector<256x1xi32>
    %gt3A_68 = vector.broadcast %slice3A_63 : vector<256x1xf32> to vector<256x2048xf32>
    %gt3A_69 = vector.broadcast %get3A_1 : vector<1x2048xf32> to vector<256x2048xf32>
    %gt3A_70 = arith.cmpf ogt, %gt3A_68, %gt3A_69 : vector<256x2048xf32>
    %eq3A_71 = vector.broadcast %slice3A_63 : vector<256x1xf32> to vector<256x2048xf32>
    %eq3A_72 = vector.broadcast %get3A_1 : vector<1x2048xf32> to vector<256x2048xf32>
    %eq3A_73 = arith.cmpf oeq, %eq3A_71, %eq3A_72 : vector<256x2048xf32>
    %lt3A_74 = vector.broadcast %add3A_67 : vector<256x1xi32> to vector<256x2048xi32>
    %lt3A_75 = vector.broadcast %iota3A : vector<1x2048xi32> to vector<256x2048xi32>
    %lt3A_76 = arith.cmpi slt, %lt3A_74, %lt3A_75 : vector<256x2048xi32>
    %and3A_77 = arith.andi %eq3A_73, %lt3A_76 : vector<256x2048xi1>
    %or3A_78 = arith.ori %gt3A_70, %and3A_77 : vector<256x2048xi1>
    %convert_element_type3A_79 = arith.extui %or3A_78 : vector<256x2048xi1> to vector<256x2048xi32>
    %convert_element_type3A_80 = arith.sitofp %convert_element_type3A_79 : vector<256x2048xi32> to vector<256x2048xf32>
    %reduce_sum3A_81 = arith.constant dense<0.000000e+00> : vector<2048xf32>
    %reduce_sum3A_82 = vector.multi_reduction <add>, %convert_element_type3A_80, %reduce_sum3A_81 [0] : vector<256x2048xf32> to vector<2048xf32>
    %broadcast_in_dim3A_83 = vector.shape_cast %reduce_sum3A_82 : vector<2048xf32> to vector<1x2048xf32>
    %add3A_84 = arith.addf %add3A_62, %broadcast_in_dim3A_83 : vector<1x2048xf32>
    %slice3A_85 = vector.extract_strided_slice %get3A_4 {offsets = [1024, 0], sizes = [256, 1], strides = [1, 1]} : vector<2048x1xf32> to vector<256x1xf32>
    %iota3A_86 = tpu.iota {dimensions = array<i32: 0>} : vector<256x1xi32>
    %add3A_87 = arith.constant 1024 : i32
    %add3A_88 = vector.broadcast %add3A_87 : i32 to vector<256x1xi32>
    %add3A_89 = arith.addi %iota3A_86, %add3A_88 : vector<256x1xi32>
    %gt3A_90 = vector.broadcast %slice3A_85 : vector<256x1xf32> to vector<256x2048xf32>
    %gt3A_91 = vector.broadcast %get3A_1 : vector<1x2048xf32> to vector<256x2048xf32>
    %gt3A_92 = arith.cmpf ogt, %gt3A_90, %gt3A_91 : vector<256x2048xf32>
    %eq3A_93 = vector.broadcast %slice3A_85 : vector<256x1xf32> to vector<256x2048xf32>
    %eq3A_94 = vector.broadcast %get3A_1 : vector<1x2048xf32> to vector<256x2048xf32>
    %eq3A_95 = arith.cmpf oeq, %eq3A_93, %eq3A_94 : vector<256x2048xf32>
    %lt3A_96 = vector.broadcast %add3A_89 : vector<256x1xi32> to vector<256x2048xi32>
    %lt3A_97 = vector.broadcast %iota3A : vector<1x2048xi32> to vector<256x2048xi32>
    %lt3A_98 = arith.cmpi slt, %lt3A_96, %lt3A_97 : vector<256x2048xi32>
    %and3A_99 = arith.andi %eq3A_95, %lt3A_98 : vector<256x2048xi1>
    %or3A_100 = arith.ori %gt3A_92, %and3A_99 : vector<256x2048xi1>
    %convert_element_type3A_101 = arith.extui %or3A_100 : vector<256x2048xi1> to vector<256x2048xi32>
    %convert_element_type3A_102 = arith.sitofp %convert_element_type3A_101 : vector<256x2048xi32> to vector<256x2048xf32>
    %reduce_sum3A_103 = arith.constant dense<0.000000e+00> : vector<2048xf32>
    %reduce_sum3A_104 = vector.multi_reduction <add>, %convert_element_type3A_102, %reduce_sum3A_103 [0] : vector<256x2048xf32> to vector<2048xf32>
    %broadcast_in_dim3A_105 = vector.shape_cast %reduce_sum3A_104 : vector<2048xf32> to vector<1x2048xf32>
    %add3A_106 = arith.addf %add3A_84, %broadcast_in_dim3A_105 : vector<1x2048xf32>
    %slice3A_107 = vector.extract_strided_slice %get3A_4 {offsets = [1280, 0], sizes = [256, 1], strides = [1, 1]} : vector<2048x1xf32> to vector<256x1xf32>
    %iota3A_108 = tpu.iota {dimensions = array<i32: 0>} : vector<256x1xi32>
    %add3A_109 = arith.constant 1280 : i32
    %add3A_110 = vector.broadcast %add3A_109 : i32 to vector<256x1xi32>
    %add3A_111 = arith.addi %iota3A_108, %add3A_110 : vector<256x1xi32>
    %gt3A_112 = vector.broadcast %slice3A_107 : vector<256x1xf32> to vector<256x2048xf32>
    %gt3A_113 = vector.broadcast %get3A_1 : vector<1x2048xf32> to vector<256x2048xf32>
    %gt3A_114 = arith.cmpf ogt, %gt3A_112, %gt3A_113 : vector<256x2048xf32>
    %eq3A_115 = vector.broadcast %slice3A_107 : vector<256x1xf32> to vector<256x2048xf32>
    %eq3A_116 = vector.broadcast %get3A_1 : vector<1x2048xf32> to vector<256x2048xf32>
    %eq3A_117 = arith.cmpf oeq, %eq3A_115, %eq3A_116 : vector<256x2048xf32>
    %lt3A_118 = vector.broadcast %add3A_111 : vector<256x1xi32> to vector<256x2048xi32>
    %lt3A_119 = vector.broadcast %iota3A : vector<1x2048xi32> to vector<256x2048xi32>
    %lt3A_120 = arith.cmpi slt, %lt3A_118, %lt3A_119 : vector<256x2048xi32>
    %and3A_121 = arith.andi %eq3A_117, %lt3A_120 : vector<256x2048xi1>
    %or3A_122 = arith.ori %gt3A_114, %and3A_121 : vector<256x2048xi1>
    %convert_element_type3A_123 = arith.extui %or3A_122 : vector<256x2048xi1> to vector<256x2048xi32>
    %convert_element_type3A_124 = arith.sitofp %convert_element_type3A_123 : vector<256x2048xi32> to vector<256x2048xf32>
    %reduce_sum3A_125 = arith.constant dense<0.000000e+00> : vector<2048xf32>
    %reduce_sum3A_126 = vector.multi_reduction <add>, %convert_element_type3A_124, %reduce_sum3A_125 [0] : vector<256x2048xf32> to vector<2048xf32>
    %broadcast_in_dim3A_127 = vector.shape_cast %reduce_sum3A_126 : vector<2048xf32> to vector<1x2048xf32>
    %add3A_128 = arith.addf %add3A_106, %broadcast_in_dim3A_127 : vector<1x2048xf32>
    %slice3A_129 = vector.extract_strided_slice %get3A_4 {offsets = [1536, 0], sizes = [256, 1], strides = [1, 1]} : vector<2048x1xf32> to vector<256x1xf32>
    %iota3A_130 = tpu.iota {dimensions = array<i32: 0>} : vector<256x1xi32>
    %add3A_131 = arith.constant 1536 : i32
    %add3A_132 = vector.broadcast %add3A_131 : i32 to vector<256x1xi32>
    %add3A_133 = arith.addi %iota3A_130, %add3A_132 : vector<256x1xi32>
    %gt3A_134 = vector.broadcast %slice3A_129 : vector<256x1xf32> to vector<256x2048xf32>
    %gt3A_135 = vector.broadcast %get3A_1 : vector<1x2048xf32> to vector<256x2048xf32>
    %gt3A_136 = arith.cmpf ogt, %gt3A_134, %gt3A_135 : vector<256x2048xf32>
    %eq3A_137 = vector.broadcast %slice3A_129 : vector<256x1xf32> to vector<256x2048xf32>
    %eq3A_138 = vector.broadcast %get3A_1 : vector<1x2048xf32> to vector<256x2048xf32>
    %eq3A_139 = arith.cmpf oeq, %eq3A_137, %eq3A_138 : vector<256x2048xf32>
    %lt3A_140 = vector.broadcast %add3A_133 : vector<256x1xi32> to vector<256x2048xi32>
    %lt3A_141 = vector.broadcast %iota3A : vector<1x2048xi32> to vector<256x2048xi32>
    %lt3A_142 = arith.cmpi slt, %lt3A_140, %lt3A_141 : vector<256x2048xi32>
    %and3A_143 = arith.andi %eq3A_139, %lt3A_142 : vector<256x2048xi1>
    %or3A_144 = arith.ori %gt3A_136, %and3A_143 : vector<256x2048xi1>
    %convert_element_type3A_145 = arith.extui %or3A_144 : vector<256x2048xi1> to vector<256x2048xi32>
    %convert_element_type3A_146 = arith.sitofp %convert_element_type3A_145 : vector<256x2048xi32> to vector<256x2048xf32>
    %reduce_sum3A_147 = arith.constant dense<0.000000e+00> : vector<2048xf32>
    %reduce_sum3A_148 = vector.multi_reduction <add>, %convert_element_type3A_146, %reduce_sum3A_147 [0] : vector<256x2048xf32> to vector<2048xf32>
    %broadcast_in_dim3A_149 = vector.shape_cast %reduce_sum3A_148 : vector<2048xf32> to vector<1x2048xf32>
    %add3A_150 = arith.addf %add3A_128, %broadcast_in_dim3A_149 : vector<1x2048xf32>
    %slice3A_151 = vector.extract_strided_slice %get3A_4 {offsets = [1792, 0], sizes = [256, 1], strides = [1, 1]} : vector<2048x1xf32> to vector<256x1xf32>
    %iota3A_152 = tpu.iota {dimensions = array<i32: 0>} : vector<256x1xi32>
    %add3A_153 = arith.constant 1792 : i32
    %add3A_154 = vector.broadcast %add3A_153 : i32 to vector<256x1xi32>
    %add3A_155 = arith.addi %iota3A_152, %add3A_154 : vector<256x1xi32>
    %gt3A_156 = vector.broadcast %slice3A_151 : vector<256x1xf32> to vector<256x2048xf32>
    %gt3A_157 = vector.broadcast %get3A_1 : vector<1x2048xf32> to vector<256x2048xf32>
    %gt3A_158 = arith.cmpf ogt, %gt3A_156, %gt3A_157 : vector<256x2048xf32>
    %eq3A_159 = vector.broadcast %slice3A_151 : vector<256x1xf32> to vector<256x2048xf32>
    %eq3A_160 = vector.broadcast %get3A_1 : vector<1x2048xf32> to vector<256x2048xf32>
    %eq3A_161 = arith.cmpf oeq, %eq3A_159, %eq3A_160 : vector<256x2048xf32>
    %lt3A_162 = vector.broadcast %add3A_155 : vector<256x1xi32> to vector<256x2048xi32>
    %lt3A_163 = vector.broadcast %iota3A : vector<1x2048xi32> to vector<256x2048xi32>
    %lt3A_164 = arith.cmpi slt, %lt3A_162, %lt3A_163 : vector<256x2048xi32>
    %and3A_165 = arith.andi %eq3A_161, %lt3A_164 : vector<256x2048xi1>
    %or3A_166 = arith.ori %gt3A_158, %and3A_165 : vector<256x2048xi1>
    %convert_element_type3A_167 = arith.extui %or3A_166 : vector<256x2048xi1> to vector<256x2048xi32>
    %convert_element_type3A_168 = arith.sitofp %convert_element_type3A_167 : vector<256x2048xi32> to vector<256x2048xf32>
    %reduce_sum3A_169 = arith.constant dense<0.000000e+00> : vector<2048xf32>
    %reduce_sum3A_170 = vector.multi_reduction <add>, %convert_element_type3A_168, %reduce_sum3A_169 [0] : vector<256x2048xf32> to vector<2048xf32>
    %broadcast_in_dim3A_171 = vector.shape_cast %reduce_sum3A_170 : vector<2048xf32> to vector<1x2048xf32>
    %add3A_172 = arith.addf %add3A_150, %broadcast_in_dim3A_171 : vector<1x2048xf32>
    %ge3A = arith.constant 1.536000e+03 : f32
    %ge3A_173 = vector.broadcast %ge3A : f32 to vector<1x2048xf32>
    %ge3A_174 = arith.cmpf oge, %add3A_172, %ge3A_173 : vector<1x2048xf32>
    %convert_element_type3A_175 = arith.extui %ge3A_174 : vector<1x2048xi1> to vector<1x2048xi32>
    %convert_element_type3A_176 = arith.sitofp %convert_element_type3A_175 : vector<1x2048xi32> to vector<1x2048xf32>
    %iota3A_177 = tpu.iota {dimensions = array<i32: 0>} : vector<2048x1xi32>
    %iota3A_178 = tpu.iota {dimensions = array<i32: 1>} : vector<1x256xi32>
    %add3A_179 = arith.constant 0 : i32
    %add3A_180 = vector.broadcast %add3A_179 : i32 to vector<1x256xi32>
    %add3A_181 = arith.addi %iota3A_178, %add3A_180 : vector<1x256xi32>
    %lt3A_182 = vector.broadcast %iota3A_177 : vector<2048x1xi32> to vector<2048x256xi32>
    %lt3A_183 = vector.broadcast %add3A_181 : vector<1x256xi32> to vector<2048x256xi32>
    %lt3A_184 = arith.cmpi slt, %lt3A_182, %lt3A_183 : vector<2048x256xi32>
    %convert_element_type3A_185 = arith.extui %lt3A_184 : vector<2048x256xi1> to vector<2048x256xi32>
    %convert_element_type3A_186 = arith.sitofp %convert_element_type3A_185 : vector<2048x256xi32> to vector<2048x256xf32>
    %dot_general3A = arith.constant dense<0.000000e+00> : vector<1x256xf32>
    %dot_general3A_187 = tpu.matmul %convert_element_type3A_176, %convert_element_type3A_186, %dot_general3A {dimension_numbers = #tpu.dot_dimension_numbers<[1], [0], [0], [1], [0, 0, 1, 1], [], []>, precision = #tpu.contract_precision<fp32>, transpose_lhs_hint = false} : vector<1x2048xf32>, vector<2048x256xf32>, vector<1x256xf32> -> vector<1x256xf32>
    %iota3A_188 = tpu.iota {dimensions = array<i32: 1>} : vector<1x256xi32>
    %add3A_189 = arith.constant 256 : i32
    %add3A_190 = vector.broadcast %add3A_189 : i32 to vector<1x256xi32>
    %add3A_191 = arith.addi %iota3A_188, %add3A_190 : vector<1x256xi32>
    %lt3A_192 = vector.broadcast %iota3A_177 : vector<2048x1xi32> to vector<2048x256xi32>
    %lt3A_193 = vector.broadcast %add3A_191 : vector<1x256xi32> to vector<2048x256xi32>
    %lt3A_194 = arith.cmpi slt, %lt3A_192, %lt3A_193 : vector<2048x256xi32>
    %convert_element_type3A_195 = arith.extui %lt3A_194 : vector<2048x256xi1> to vector<2048x256xi32>
    %convert_element_type3A_196 = arith.sitofp %convert_element_type3A_195 : vector<2048x256xi32> to vector<2048x256xf32>
    %dot_general3A_197 = arith.constant dense<0.000000e+00> : vector<1x256xf32>
    %dot_general3A_198 = tpu.matmul %convert_element_type3A_176, %convert_element_type3A_196, %dot_general3A_197 {dimension_numbers = #tpu.dot_dimension_numbers<[1], [0], [0], [1], [0, 0, 1, 1], [], []>, precision = #tpu.contract_precision<fp32>, transpose_lhs_hint = false} : vector<1x2048xf32>, vector<2048x256xf32>, vector<1x256xf32> -> vector<1x256xf32>
    %iota3A_199 = tpu.iota {dimensions = array<i32: 1>} : vector<1x256xi32>
    %add3A_200 = arith.constant 512 : i32
    %add3A_201 = vector.broadcast %add3A_200 : i32 to vector<1x256xi32>
    %add3A_202 = arith.addi %iota3A_199, %add3A_201 : vector<1x256xi32>
    %lt3A_203 = vector.broadcast %iota3A_177 : vector<2048x1xi32> to vector<2048x256xi32>
    %lt3A_204 = vector.broadcast %add3A_202 : vector<1x256xi32> to vector<2048x256xi32>
    %lt3A_205 = arith.cmpi slt, %lt3A_203, %lt3A_204 : vector<2048x256xi32>
    %convert_element_type3A_206 = arith.extui %lt3A_205 : vector<2048x256xi1> to vector<2048x256xi32>
    %convert_element_type3A_207 = arith.sitofp %convert_element_type3A_206 : vector<2048x256xi32> to vector<2048x256xf32>
    %dot_general3A_208 = arith.constant dense<0.000000e+00> : vector<1x256xf32>
    %dot_general3A_209 = tpu.matmul %convert_element_type3A_176, %convert_element_type3A_207, %dot_general3A_208 {dimension_numbers = #tpu.dot_dimension_numbers<[1], [0], [0], [1], [0, 0, 1, 1], [], []>, precision = #tpu.contract_precision<fp32>, transpose_lhs_hint = false} : vector<1x2048xf32>, vector<2048x256xf32>, vector<1x256xf32> -> vector<1x256xf32>
    %iota3A_210 = tpu.iota {dimensions = array<i32: 1>} : vector<1x256xi32>
    %add3A_211 = arith.constant 768 : i32
    %add3A_212 = vector.broadcast %add3A_211 : i32 to vector<1x256xi32>
    %add3A_213 = arith.addi %iota3A_210, %add3A_212 : vector<1x256xi32>
    %lt3A_214 = vector.broadcast %iota3A_177 : vector<2048x1xi32> to vector<2048x256xi32>
    %lt3A_215 = vector.broadcast %add3A_213 : vector<1x256xi32> to vector<2048x256xi32>
    %lt3A_216 = arith.cmpi slt, %lt3A_214, %lt3A_215 : vector<2048x256xi32>
    %convert_element_type3A_217 = arith.extui %lt3A_216 : vector<2048x256xi1> to vector<2048x256xi32>
    %convert_element_type3A_218 = arith.sitofp %convert_element_type3A_217 : vector<2048x256xi32> to vector<2048x256xf32>
    %dot_general3A_219 = arith.constant dense<0.000000e+00> : vector<1x256xf32>
    %dot_general3A_220 = tpu.matmul %convert_element_type3A_176, %convert_element_type3A_218, %dot_general3A_219 {dimension_numbers = #tpu.dot_dimension_numbers<[1], [0], [0], [1], [0, 0, 1, 1], [], []>, precision = #tpu.contract_precision<fp32>, transpose_lhs_hint = false} : vector<1x2048xf32>, vector<2048x256xf32>, vector<1x256xf32> -> vector<1x256xf32>
    %iota3A_221 = tpu.iota {dimensions = array<i32: 1>} : vector<1x256xi32>
    %add3A_222 = arith.constant 1024 : i32
    %add3A_223 = vector.broadcast %add3A_222 : i32 to vector<1x256xi32>
    %add3A_224 = arith.addi %iota3A_221, %add3A_223 : vector<1x256xi32>
    %lt3A_225 = vector.broadcast %iota3A_177 : vector<2048x1xi32> to vector<2048x256xi32>
    %lt3A_226 = vector.broadcast %add3A_224 : vector<1x256xi32> to vector<2048x256xi32>
    %lt3A_227 = arith.cmpi slt, %lt3A_225, %lt3A_226 : vector<2048x256xi32>
    %convert_element_type3A_228 = arith.extui %lt3A_227 : vector<2048x256xi1> to vector<2048x256xi32>
    %convert_element_type3A_229 = arith.sitofp %convert_element_type3A_228 : vector<2048x256xi32> to vector<2048x256xf32>
    %dot_general3A_230 = arith.constant dense<0.000000e+00> : vector<1x256xf32>
    %dot_general3A_231 = tpu.matmul %convert_element_type3A_176, %convert_element_type3A_229, %dot_general3A_230 {dimension_numbers = #tpu.dot_dimension_numbers<[1], [0], [0], [1], [0, 0, 1, 1], [], []>, precision = #tpu.contract_precision<fp32>, transpose_lhs_hint = false} : vector<1x2048xf32>, vector<2048x256xf32>, vector<1x256xf32> -> vector<1x256xf32>
    %iota3A_232 = tpu.iota {dimensions = array<i32: 1>} : vector<1x256xi32>
    %add3A_233 = arith.constant 1280 : i32
    %add3A_234 = vector.broadcast %add3A_233 : i32 to vector<1x256xi32>
    %add3A_235 = arith.addi %iota3A_232, %add3A_234 : vector<1x256xi32>
    %lt3A_236 = vector.broadcast %iota3A_177 : vector<2048x1xi32> to vector<2048x256xi32>
    %lt3A_237 = vector.broadcast %add3A_235 : vector<1x256xi32> to vector<2048x256xi32>
    %lt3A_238 = arith.cmpi slt, %lt3A_236, %lt3A_237 : vector<2048x256xi32>
    %convert_element_type3A_239 = arith.extui %lt3A_238 : vector<2048x256xi1> to vector<2048x256xi32>
    %convert_element_type3A_240 = arith.sitofp %convert_element_type3A_239 : vector<2048x256xi32> to vector<2048x256xf32>
    %dot_general3A_241 = arith.constant dense<0.000000e+00> : vector<1x256xf32>
    %dot_general3A_242 = tpu.matmul %convert_element_type3A_176, %convert_element_type3A_240, %dot_general3A_241 {dimension_numbers = #tpu.dot_dimension_numbers<[1], [0], [0], [1], [0, 0, 1, 1], [], []>, precision = #tpu.contract_precision<fp32>, transpose_lhs_hint = false} : vector<1x2048xf32>, vector<2048x256xf32>, vector<1x256xf32> -> vector<1x256xf32>
    %iota3A_243 = tpu.iota {dimensions = array<i32: 1>} : vector<1x256xi32>
    %add3A_244 = arith.constant 1536 : i32
    %add3A_245 = vector.broadcast %add3A_244 : i32 to vector<1x256xi32>
    %add3A_246 = arith.addi %iota3A_243, %add3A_245 : vector<1x256xi32>
    %lt3A_247 = vector.broadcast %iota3A_177 : vector<2048x1xi32> to vector<2048x256xi32>
    %lt3A_248 = vector.broadcast %add3A_246 : vector<1x256xi32> to vector<2048x256xi32>
    %lt3A_249 = arith.cmpi slt, %lt3A_247, %lt3A_248 : vector<2048x256xi32>
    %convert_element_type3A_250 = arith.extui %lt3A_249 : vector<2048x256xi1> to vector<2048x256xi32>
    %convert_element_type3A_251 = arith.sitofp %convert_element_type3A_250 : vector<2048x256xi32> to vector<2048x256xf32>
    %dot_general3A_252 = arith.constant dense<0.000000e+00> : vector<1x256xf32>
    %dot_general3A_253 = tpu.matmul %convert_element_type3A_176, %convert_element_type3A_251, %dot_general3A_252 {dimension_numbers = #tpu.dot_dimension_numbers<[1], [0], [0], [1], [0, 0, 1, 1], [], []>, precision = #tpu.contract_precision<fp32>, transpose_lhs_hint = false} : vector<1x2048xf32>, vector<2048x256xf32>, vector<1x256xf32> -> vector<1x256xf32>
    %iota3A_254 = tpu.iota {dimensions = array<i32: 1>} : vector<1x256xi32>
    %add3A_255 = arith.constant 1792 : i32
    %add3A_256 = vector.broadcast %add3A_255 : i32 to vector<1x256xi32>
    %add3A_257 = arith.addi %iota3A_254, %add3A_256 : vector<1x256xi32>
    %lt3A_258 = vector.broadcast %iota3A_177 : vector<2048x1xi32> to vector<2048x256xi32>
    %lt3A_259 = vector.broadcast %add3A_257 : vector<1x256xi32> to vector<2048x256xi32>
    %lt3A_260 = arith.cmpi slt, %lt3A_258, %lt3A_259 : vector<2048x256xi32>
    %convert_element_type3A_261 = arith.extui %lt3A_260 : vector<2048x256xi1> to vector<2048x256xi32>
    %convert_element_type3A_262 = arith.sitofp %convert_element_type3A_261 : vector<2048x256xi32> to vector<2048x256xf32>
    %dot_general3A_263 = arith.constant dense<0.000000e+00> : vector<1x256xf32>
    %dot_general3A_264 = tpu.matmul %convert_element_type3A_176, %convert_element_type3A_262, %dot_general3A_263 {dimension_numbers = #tpu.dot_dimension_numbers<[1], [0], [0], [1], [0, 0, 1, 1], [], []>, precision = #tpu.contract_precision<fp32>, transpose_lhs_hint = false} : vector<1x2048xf32>, vector<2048x256xf32>, vector<1x256xf32> -> vector<1x256xf32>
    %concatenate3A = tpu.concatenate %dot_general3A_187, %dot_general3A_198, %dot_general3A_209, %dot_general3A_220, %dot_general3A_231, %dot_general3A_242, %dot_general3A_253, %dot_general3A_264 in 1 : vector<1x256xf32>, vector<1x256xf32>, vector<1x256xf32>, vector<1x256xf32>, vector<1x256xf32>, vector<1x256xf32>, vector<1x256xf32>, vector<1x256xf32> -> vector<1x2048xf32>
    %iota3A_265 = tpu.iota {dimensions = array<i32: 0>} : vector<512x1xi32>
    %convert_element_type3A_266 = arith.sitofp %iota3A_265 : vector<512x1xi32> to vector<512x1xf32>
    %eq3A_267 = vector.broadcast %concatenate3A : vector<1x2048xf32> to vector<512x2048xf32>
    %eq3A_268 = vector.broadcast %convert_element_type3A_266 : vector<512x1xf32> to vector<512x2048xf32>
    %eq3A_269 = arith.cmpf oeq, %eq3A_267, %eq3A_268 : vector<512x2048xf32>
    %eq3A_270 = arith.constant 1.000000e+00 : f32
    %eq3A_271 = vector.broadcast %eq3A_270 : f32 to vector<1x2048xf32>
    %eq3A_272 = arith.cmpf oeq, %convert_element_type3A_176, %eq3A_271 : vector<1x2048xf32>
    %and3A_273 = vector.broadcast %eq3A_272 : vector<1x2048xi1> to vector<512x2048xi1>
    %and3A_274 = arith.andi %eq3A_269, %and3A_273 : vector<512x2048xi1>
    %jit3A = arith.constant 1.000000e+00 : f32
    %jit3A_275 = arith.constant 0.000000e+00 : f32
    %broadcast_in_dim3A_276 = vector.broadcast %jit3A : f32 to vector<512x2048xf32>
    %broadcast_in_dim3A_277 = vector.broadcast %jit3A_275 : f32 to vector<512x2048xf32>
    %select_n3A = arith.select %and3A_274, %broadcast_in_dim3A_276, %broadcast_in_dim3A_277 : vector<512x2048xi1>, vector<512x2048xf32>
    %get3A_278 = arith.constant 0 : index
    %get3A_279 = arith.constant 0 : index
    %get3A_280 = vector.load %arg2[%get3A_278, %get3A_279] : memref<2048x1024xf32, #tpu.memory_space<vmem>>, vector<2048x1024xf32>
    %dot_general3A_281 = arith.constant dense<0.000000e+00> : vector<512x1024xf32>
    %dot_general3A_282 = tpu.matmul %select_n3A, %get3A_280, %dot_general3A_281 {dimension_numbers = #tpu.dot_dimension_numbers<[1], [0], [0], [1], [0, 0, 1, 1], [], []>, precision = #tpu.contract_precision<fp32>, transpose_lhs_hint = false} : vector<512x2048xf32>, vector<2048x1024xf32>, vector<512x1024xf32> -> vector<512x1024xf32>
    %get3A_283 = arith.constant 0 : index
    %get3A_284 = arith.constant 0 : index
    %get3A_285 = vector.load %arg2[%get3A_283, %get3A_284] : memref<2048x1024xf32, #tpu.memory_space<vmem>>, vector<1x1024xf32>
    %get3A_286 = arith.constant 0 : index
    %get3A_287 = arith.constant 0 : index
    %get3A_288 = vector.load %arg3[%get3A_286, %get3A_287] : memref<1024x512xf32, #tpu.memory_space<vmem>>, vector<1024x512xf32>
    %dot_general3A_289 = arith.constant dense<0.000000e+00> : vector<1x512xf32>
    %dot_general3A_290 = tpu.matmul %get3A_285, %get3A_288, %dot_general3A_289 {dimension_numbers = #tpu.dot_dimension_numbers<[1], [0], [0], [1], [0, 0, 1, 1], [], []>, precision = #tpu.contract_precision<fp32>, transpose_lhs_hint = false} : vector<1x1024xf32>, vector<1024x512xf32>, vector<1x512xf32> -> vector<1x512xf32>
    %get3A_291 = arith.constant 0 : index
    %get3A_292 = arith.constant 0 : index
    %get3A_293 = vector.load %arg4[%get3A_291, %get3A_292] : memref<1024x512xf32, #tpu.memory_space<vmem>>, vector<1024x512xf32>
    %dot_general3A_294 = arith.constant dense<0.000000e+00> : vector<512x512xf32>
    %dot_general3A_295 = tpu.matmul %dot_general3A_282, %get3A_293, %dot_general3A_294 {dimension_numbers = #tpu.dot_dimension_numbers<[1], [0], [0], [1], [0, 0, 1, 1], [], []>, precision = #tpu.contract_precision<fp32>, transpose_lhs_hint = false} : vector<512x1024xf32>, vector<1024x512xf32>, vector<512x512xf32> -> vector<512x512xf32>
    %get3A_296 = arith.constant 0 : index
    %get3A_297 = arith.constant 0 : index
    %get3A_298 = vector.load %arg5[%get3A_296, %get3A_297] : memref<1024x512xf32, #tpu.memory_space<vmem>>, vector<1024x512xf32>
    %dot_general3A_299 = arith.constant dense<0.000000e+00> : vector<512x512xf32>
    %dot_general3A_300 = tpu.matmul %dot_general3A_282, %get3A_298, %dot_general3A_299 {dimension_numbers = #tpu.dot_dimension_numbers<[1], [0], [0], [1], [0, 0, 1, 1], [], []>, precision = #tpu.contract_precision<fp32>, transpose_lhs_hint = false} : vector<512x1024xf32>, vector<1024x512xf32>, vector<512x512xf32> -> vector<512x512xf32>
    %slice3A_301 = vector.extract_strided_slice %dot_general3A_290 {offsets = [0, 0], sizes = [1, 64], strides = [1, 1]} : vector<1x512xf32> to vector<1x64xf32>
    %slice3A_302 = vector.extract_strided_slice %dot_general3A_295 {offsets = [0, 0], sizes = [512, 64], strides = [1, 1]} : vector<512x512xf32> to vector<512x64xf32>
    %slice3A_303 = vector.extract_strided_slice %dot_general3A_300 {offsets = [0, 0], sizes = [512, 64], strides = [1, 1]} : vector<512x512xf32> to vector<512x64xf32>
    %dot_general3A_304 = arith.constant dense<0.000000e+00> : vector<1x512xf32>
    %dot_general3A_305 = tpu.matmul %slice3A_301, %slice3A_302, %dot_general3A_304 {dimension_numbers = #tpu.dot_dimension_numbers<[1], [1], [0], [0], [0, 0, 1, 0], [], []>, precision = #tpu.contract_precision<fp32>, transpose_lhs_hint = false} : vector<1x64xf32>, vector<512x64xf32>, vector<1x512xf32> -> vector<1x512xf32>
    %mul3A = arith.constant 1.250000e-01 : f32
    %mul3A_306 = vector.broadcast %mul3A : f32 to vector<1x512xf32>
    %mul3A_307 = arith.mulf %dot_general3A_305, %mul3A_306 : vector<1x512xf32>
    %reduce_max3A = arith.constant dense<0xFF800000> : vector<1xf32>
    %reduce_max3A_308 = vector.multi_reduction <maximumf>, %mul3A_307, %reduce_max3A [1] : vector<1x512xf32> to vector<1xf32>
    %broadcast_in_dim3A_309 = vector.shape_cast %reduce_max3A_308 : vector<1xf32> to vector<1x1xf32>
    %sub3A = vector.broadcast %broadcast_in_dim3A_309 : vector<1x1xf32> to vector<1x512xf32>
    %sub3A_310 = arith.subf %mul3A_307, %sub3A : vector<1x512xf32>
    %exp3A = math.exp %sub3A_310 : vector<1x512xf32>
    %reduce_sum3A_311 = arith.constant dense<0.000000e+00> : vector<1xf32>
    %reduce_sum3A_312 = vector.multi_reduction <add>, %exp3A, %reduce_sum3A_311 [1] : vector<1x512xf32> to vector<1xf32>
    %broadcast_in_dim3A_313 = vector.shape_cast %reduce_sum3A_312 : vector<1xf32> to vector<1x1xf32>
    %div3A = vector.broadcast %broadcast_in_dim3A_313 : vector<1x1xf32> to vector<1x512xf32>
    %div3A_314 = arith.divf %exp3A, %div3A : vector<1x512xf32>
    %dot_general3A_315 = arith.constant dense<0.000000e+00> : vector<1x64xf32>
    %dot_general3A_316 = tpu.matmul %div3A_314, %slice3A_303, %dot_general3A_315 {dimension_numbers = #tpu.dot_dimension_numbers<[1], [0], [0], [1], [0, 0, 1, 1], [], []>, precision = #tpu.contract_precision<fp32>, transpose_lhs_hint = false} : vector<1x512xf32>, vector<512x64xf32>, vector<1x64xf32> -> vector<1x64xf32>
    %slice3A_317 = vector.extract_strided_slice %dot_general3A_290 {offsets = [0, 64], sizes = [1, 64], strides = [1, 1]} : vector<1x512xf32> to vector<1x64xf32>
    %slice3A_318 = vector.extract_strided_slice %dot_general3A_295 {offsets = [0, 64], sizes = [512, 64], strides = [1, 1]} : vector<512x512xf32> to vector<512x64xf32>
    %slice3A_319 = vector.extract_strided_slice %dot_general3A_300 {offsets = [0, 64], sizes = [512, 64], strides = [1, 1]} : vector<512x512xf32> to vector<512x64xf32>
    %dot_general3A_320 = arith.constant dense<0.000000e+00> : vector<1x512xf32>
    %dot_general3A_321 = tpu.matmul %slice3A_317, %slice3A_318, %dot_general3A_320 {dimension_numbers = #tpu.dot_dimension_numbers<[1], [1], [0], [0], [0, 0, 1, 0], [], []>, precision = #tpu.contract_precision<fp32>, transpose_lhs_hint = false} : vector<1x64xf32>, vector<512x64xf32>, vector<1x512xf32> -> vector<1x512xf32>
    %mul3A_322 = arith.constant 1.250000e-01 : f32
    %mul3A_323 = vector.broadcast %mul3A_322 : f32 to vector<1x512xf32>
    %mul3A_324 = arith.mulf %dot_general3A_321, %mul3A_323 : vector<1x512xf32>
    %reduce_max3A_325 = arith.constant dense<0xFF800000> : vector<1xf32>
    %reduce_max3A_326 = vector.multi_reduction <maximumf>, %mul3A_324, %reduce_max3A_325 [1] : vector<1x512xf32> to vector<1xf32>
    %broadcast_in_dim3A_327 = vector.shape_cast %reduce_max3A_326 : vector<1xf32> to vector<1x1xf32>
    %sub3A_328 = vector.broadcast %broadcast_in_dim3A_327 : vector<1x1xf32> to vector<1x512xf32>
    %sub3A_329 = arith.subf %mul3A_324, %sub3A_328 : vector<1x512xf32>
    %exp3A_330 = math.exp %sub3A_329 : vector<1x512xf32>
    %reduce_sum3A_331 = arith.constant dense<0.000000e+00> : vector<1xf32>
    %reduce_sum3A_332 = vector.multi_reduction <add>, %exp3A_330, %reduce_sum3A_331 [1] : vector<1x512xf32> to vector<1xf32>
    %broadcast_in_dim3A_333 = vector.shape_cast %reduce_sum3A_332 : vector<1xf32> to vector<1x1xf32>
    %div3A_334 = vector.broadcast %broadcast_in_dim3A_333 : vector<1x1xf32> to vector<1x512xf32>
    %div3A_335 = arith.divf %exp3A_330, %div3A_334 : vector<1x512xf32>
    %dot_general3A_336 = arith.constant dense<0.000000e+00> : vector<1x64xf32>
    %dot_general3A_337 = tpu.matmul %div3A_335, %slice3A_319, %dot_general3A_336 {dimension_numbers = #tpu.dot_dimension_numbers<[1], [0], [0], [1], [0, 0, 1, 1], [], []>, precision = #tpu.contract_precision<fp32>, transpose_lhs_hint = false} : vector<1x512xf32>, vector<512x64xf32>, vector<1x64xf32> -> vector<1x64xf32>
    %slice3A_338 = vector.extract_strided_slice %dot_general3A_290 {offsets = [0, 128], sizes = [1, 64], strides = [1, 1]} : vector<1x512xf32> to vector<1x64xf32>
    %slice3A_339 = vector.extract_strided_slice %dot_general3A_295 {offsets = [0, 128], sizes = [512, 64], strides = [1, 1]} : vector<512x512xf32> to vector<512x64xf32>
    %slice3A_340 = vector.extract_strided_slice %dot_general3A_300 {offsets = [0, 128], sizes = [512, 64], strides = [1, 1]} : vector<512x512xf32> to vector<512x64xf32>
    %dot_general3A_341 = arith.constant dense<0.000000e+00> : vector<1x512xf32>
    %dot_general3A_342 = tpu.matmul %slice3A_338, %slice3A_339, %dot_general3A_341 {dimension_numbers = #tpu.dot_dimension_numbers<[1], [1], [0], [0], [0, 0, 1, 0], [], []>, precision = #tpu.contract_precision<fp32>, transpose_lhs_hint = false} : vector<1x64xf32>, vector<512x64xf32>, vector<1x512xf32> -> vector<1x512xf32>
    %mul3A_343 = arith.constant 1.250000e-01 : f32
    %mul3A_344 = vector.broadcast %mul3A_343 : f32 to vector<1x512xf32>
    %mul3A_345 = arith.mulf %dot_general3A_342, %mul3A_344 : vector<1x512xf32>
    %reduce_max3A_346 = arith.constant dense<0xFF800000> : vector<1xf32>
    %reduce_max3A_347 = vector.multi_reduction <maximumf>, %mul3A_345, %reduce_max3A_346 [1] : vector<1x512xf32> to vector<1xf32>
    %broadcast_in_dim3A_348 = vector.shape_cast %reduce_max3A_347 : vector<1xf32> to vector<1x1xf32>
    %sub3A_349 = vector.broadcast %broadcast_in_dim3A_348 : vector<1x1xf32> to vector<1x512xf32>
    %sub3A_350 = arith.subf %mul3A_345, %sub3A_349 : vector<1x512xf32>
    %exp3A_351 = math.exp %sub3A_350 : vector<1x512xf32>
    %reduce_sum3A_352 = arith.constant dense<0.000000e+00> : vector<1xf32>
    %reduce_sum3A_353 = vector.multi_reduction <add>, %exp3A_351, %reduce_sum3A_352 [1] : vector<1x512xf32> to vector<1xf32>
    %broadcast_in_dim3A_354 = vector.shape_cast %reduce_sum3A_353 : vector<1xf32> to vector<1x1xf32>
    %div3A_355 = vector.broadcast %broadcast_in_dim3A_354 : vector<1x1xf32> to vector<1x512xf32>
    %div3A_356 = arith.divf %exp3A_351, %div3A_355 : vector<1x512xf32>
    %dot_general3A_357 = arith.constant dense<0.000000e+00> : vector<1x64xf32>
    %dot_general3A_358 = tpu.matmul %div3A_356, %slice3A_340, %dot_general3A_357 {dimension_numbers = #tpu.dot_dimension_numbers<[1], [0], [0], [1], [0, 0, 1, 1], [], []>, precision = #tpu.contract_precision<fp32>, transpose_lhs_hint = false} : vector<1x512xf32>, vector<512x64xf32>, vector<1x64xf32> -> vector<1x64xf32>
    %slice3A_359 = vector.extract_strided_slice %dot_general3A_290 {offsets = [0, 192], sizes = [1, 64], strides = [1, 1]} : vector<1x512xf32> to vector<1x64xf32>
    %slice3A_360 = vector.extract_strided_slice %dot_general3A_295 {offsets = [0, 192], sizes = [512, 64], strides = [1, 1]} : vector<512x512xf32> to vector<512x64xf32>
    %slice3A_361 = vector.extract_strided_slice %dot_general3A_300 {offsets = [0, 192], sizes = [512, 64], strides = [1, 1]} : vector<512x512xf32> to vector<512x64xf32>
    %dot_general3A_362 = arith.constant dense<0.000000e+00> : vector<1x512xf32>
    %dot_general3A_363 = tpu.matmul %slice3A_359, %slice3A_360, %dot_general3A_362 {dimension_numbers = #tpu.dot_dimension_numbers<[1], [1], [0], [0], [0, 0, 1, 0], [], []>, precision = #tpu.contract_precision<fp32>, transpose_lhs_hint = false} : vector<1x64xf32>, vector<512x64xf32>, vector<1x512xf32> -> vector<1x512xf32>
    %mul3A_364 = arith.constant 1.250000e-01 : f32
    %mul3A_365 = vector.broadcast %mul3A_364 : f32 to vector<1x512xf32>
    %mul3A_366 = arith.mulf %dot_general3A_363, %mul3A_365 : vector<1x512xf32>
    %reduce_max3A_367 = arith.constant dense<0xFF800000> : vector<1xf32>
    %reduce_max3A_368 = vector.multi_reduction <maximumf>, %mul3A_366, %reduce_max3A_367 [1] : vector<1x512xf32> to vector<1xf32>
    %broadcast_in_dim3A_369 = vector.shape_cast %reduce_max3A_368 : vector<1xf32> to vector<1x1xf32>
    %sub3A_370 = vector.broadcast %broadcast_in_dim3A_369 : vector<1x1xf32> to vector<1x512xf32>
    %sub3A_371 = arith.subf %mul3A_366, %sub3A_370 : vector<1x512xf32>
    %exp3A_372 = math.exp %sub3A_371 : vector<1x512xf32>
    %reduce_sum3A_373 = arith.constant dense<0.000000e+00> : vector<1xf32>
    %reduce_sum3A_374 = vector.multi_reduction <add>, %exp3A_372, %reduce_sum3A_373 [1] : vector<1x512xf32> to vector<1xf32>
    %broadcast_in_dim3A_375 = vector.shape_cast %reduce_sum3A_374 : vector<1xf32> to vector<1x1xf32>
    %div3A_376 = vector.broadcast %broadcast_in_dim3A_375 : vector<1x1xf32> to vector<1x512xf32>
    %div3A_377 = arith.divf %exp3A_372, %div3A_376 : vector<1x512xf32>
    %dot_general3A_378 = arith.constant dense<0.000000e+00> : vector<1x64xf32>
    %dot_general3A_379 = tpu.matmul %div3A_377, %slice3A_361, %dot_general3A_378 {dimension_numbers = #tpu.dot_dimension_numbers<[1], [0], [0], [1], [0, 0, 1, 1], [], []>, precision = #tpu.contract_precision<fp32>, transpose_lhs_hint = false} : vector<1x512xf32>, vector<512x64xf32>, vector<1x64xf32> -> vector<1x64xf32>
    %slice3A_380 = vector.extract_strided_slice %dot_general3A_290 {offsets = [0, 256], sizes = [1, 64], strides = [1, 1]} : vector<1x512xf32> to vector<1x64xf32>
    %slice3A_381 = vector.extract_strided_slice %dot_general3A_295 {offsets = [0, 256], sizes = [512, 64], strides = [1, 1]} : vector<512x512xf32> to vector<512x64xf32>
    %slice3A_382 = vector.extract_strided_slice %dot_general3A_300 {offsets = [0, 256], sizes = [512, 64], strides = [1, 1]} : vector<512x512xf32> to vector<512x64xf32>
    %dot_general3A_383 = arith.constant dense<0.000000e+00> : vector<1x512xf32>
    %dot_general3A_384 = tpu.matmul %slice3A_380, %slice3A_381, %dot_general3A_383 {dimension_numbers = #tpu.dot_dimension_numbers<[1], [1], [0], [0], [0, 0, 1, 0], [], []>, precision = #tpu.contract_precision<fp32>, transpose_lhs_hint = false} : vector<1x64xf32>, vector<512x64xf32>, vector<1x512xf32> -> vector<1x512xf32>
    %mul3A_385 = arith.constant 1.250000e-01 : f32
    %mul3A_386 = vector.broadcast %mul3A_385 : f32 to vector<1x512xf32>
    %mul3A_387 = arith.mulf %dot_general3A_384, %mul3A_386 : vector<1x512xf32>
    %reduce_max3A_388 = arith.constant dense<0xFF800000> : vector<1xf32>
    %reduce_max3A_389 = vector.multi_reduction <maximumf>, %mul3A_387, %reduce_max3A_388 [1] : vector<1x512xf32> to vector<1xf32>
    %broadcast_in_dim3A_390 = vector.shape_cast %reduce_max3A_389 : vector<1xf32> to vector<1x1xf32>
    %sub3A_391 = vector.broadcast %broadcast_in_dim3A_390 : vector<1x1xf32> to vector<1x512xf32>
    %sub3A_392 = arith.subf %mul3A_387, %sub3A_391 : vector<1x512xf32>
    %exp3A_393 = math.exp %sub3A_392 : vector<1x512xf32>
    %reduce_sum3A_394 = arith.constant dense<0.000000e+00> : vector<1xf32>
    %reduce_sum3A_395 = vector.multi_reduction <add>, %exp3A_393, %reduce_sum3A_394 [1] : vector<1x512xf32> to vector<1xf32>
    %broadcast_in_dim3A_396 = vector.shape_cast %reduce_sum3A_395 : vector<1xf32> to vector<1x1xf32>
    %div3A_397 = vector.broadcast %broadcast_in_dim3A_396 : vector<1x1xf32> to vector<1x512xf32>
    %div3A_398 = arith.divf %exp3A_393, %div3A_397 : vector<1x512xf32>
    %dot_general3A_399 = arith.constant dense<0.000000e+00> : vector<1x64xf32>
    %dot_general3A_400 = tpu.matmul %div3A_398, %slice3A_382, %dot_general3A_399 {dimension_numbers = #tpu.dot_dimension_numbers<[1], [0], [0], [1], [0, 0, 1, 1], [], []>, precision = #tpu.contract_precision<fp32>, transpose_lhs_hint = false} : vector<1x512xf32>, vector<512x64xf32>, vector<1x64xf32> -> vector<1x64xf32>
    %slice3A_401 = vector.extract_strided_slice %dot_general3A_290 {offsets = [0, 320], sizes = [1, 64], strides = [1, 1]} : vector<1x512xf32> to vector<1x64xf32>
    %slice3A_402 = vector.extract_strided_slice %dot_general3A_295 {offsets = [0, 320], sizes = [512, 64], strides = [1, 1]} : vector<512x512xf32> to vector<512x64xf32>
    %slice3A_403 = vector.extract_strided_slice %dot_general3A_300 {offsets = [0, 320], sizes = [512, 64], strides = [1, 1]} : vector<512x512xf32> to vector<512x64xf32>
    %dot_general3A_404 = arith.constant dense<0.000000e+00> : vector<1x512xf32>
    %dot_general3A_405 = tpu.matmul %slice3A_401, %slice3A_402, %dot_general3A_404 {dimension_numbers = #tpu.dot_dimension_numbers<[1], [1], [0], [0], [0, 0, 1, 0], [], []>, precision = #tpu.contract_precision<fp32>, transpose_lhs_hint = false} : vector<1x64xf32>, vector<512x64xf32>, vector<1x512xf32> -> vector<1x512xf32>
    %mul3A_406 = arith.constant 1.250000e-01 : f32
    %mul3A_407 = vector.broadcast %mul3A_406 : f32 to vector<1x512xf32>
    %mul3A_408 = arith.mulf %dot_general3A_405, %mul3A_407 : vector<1x512xf32>
    %reduce_max3A_409 = arith.constant dense<0xFF800000> : vector<1xf32>
    %reduce_max3A_410 = vector.multi_reduction <maximumf>, %mul3A_408, %reduce_max3A_409 [1] : vector<1x512xf32> to vector<1xf32>
    %broadcast_in_dim3A_411 = vector.shape_cast %reduce_max3A_410 : vector<1xf32> to vector<1x1xf32>
    %sub3A_412 = vector.broadcast %broadcast_in_dim3A_411 : vector<1x1xf32> to vector<1x512xf32>
    %sub3A_413 = arith.subf %mul3A_408, %sub3A_412 : vector<1x512xf32>
    %exp3A_414 = math.exp %sub3A_413 : vector<1x512xf32>
    %reduce_sum3A_415 = arith.constant dense<0.000000e+00> : vector<1xf32>
    %reduce_sum3A_416 = vector.multi_reduction <add>, %exp3A_414, %reduce_sum3A_415 [1] : vector<1x512xf32> to vector<1xf32>
    %broadcast_in_dim3A_417 = vector.shape_cast %reduce_sum3A_416 : vector<1xf32> to vector<1x1xf32>
    %div3A_418 = vector.broadcast %broadcast_in_dim3A_417 : vector<1x1xf32> to vector<1x512xf32>
    %div3A_419 = arith.divf %exp3A_414, %div3A_418 : vector<1x512xf32>
    %dot_general3A_420 = arith.constant dense<0.000000e+00> : vector<1x64xf32>
    %dot_general3A_421 = tpu.matmul %div3A_419, %slice3A_403, %dot_general3A_420 {dimension_numbers = #tpu.dot_dimension_numbers<[1], [0], [0], [1], [0, 0, 1, 1], [], []>, precision = #tpu.contract_precision<fp32>, transpose_lhs_hint = false} : vector<1x512xf32>, vector<512x64xf32>, vector<1x64xf32> -> vector<1x64xf32>
    %slice3A_422 = vector.extract_strided_slice %dot_general3A_290 {offsets = [0, 384], sizes = [1, 64], strides = [1, 1]} : vector<1x512xf32> to vector<1x64xf32>
    %slice3A_423 = vector.extract_strided_slice %dot_general3A_295 {offsets = [0, 384], sizes = [512, 64], strides = [1, 1]} : vector<512x512xf32> to vector<512x64xf32>
    %slice3A_424 = vector.extract_strided_slice %dot_general3A_300 {offsets = [0, 384], sizes = [512, 64], strides = [1, 1]} : vector<512x512xf32> to vector<512x64xf32>
    %dot_general3A_425 = arith.constant dense<0.000000e+00> : vector<1x512xf32>
    %dot_general3A_426 = tpu.matmul %slice3A_422, %slice3A_423, %dot_general3A_425 {dimension_numbers = #tpu.dot_dimension_numbers<[1], [1], [0], [0], [0, 0, 1, 0], [], []>, precision = #tpu.contract_precision<fp32>, transpose_lhs_hint = false} : vector<1x64xf32>, vector<512x64xf32>, vector<1x512xf32> -> vector<1x512xf32>
    %mul3A_427 = arith.constant 1.250000e-01 : f32
    %mul3A_428 = vector.broadcast %mul3A_427 : f32 to vector<1x512xf32>
    %mul3A_429 = arith.mulf %dot_general3A_426, %mul3A_428 : vector<1x512xf32>
    %reduce_max3A_430 = arith.constant dense<0xFF800000> : vector<1xf32>
    %reduce_max3A_431 = vector.multi_reduction <maximumf>, %mul3A_429, %reduce_max3A_430 [1] : vector<1x512xf32> to vector<1xf32>
    %broadcast_in_dim3A_432 = vector.shape_cast %reduce_max3A_431 : vector<1xf32> to vector<1x1xf32>
    %sub3A_433 = vector.broadcast %broadcast_in_dim3A_432 : vector<1x1xf32> to vector<1x512xf32>
    %sub3A_434 = arith.subf %mul3A_429, %sub3A_433 : vector<1x512xf32>
    %exp3A_435 = math.exp %sub3A_434 : vector<1x512xf32>
    %reduce_sum3A_436 = arith.constant dense<0.000000e+00> : vector<1xf32>
    %reduce_sum3A_437 = vector.multi_reduction <add>, %exp3A_435, %reduce_sum3A_436 [1] : vector<1x512xf32> to vector<1xf32>
    %broadcast_in_dim3A_438 = vector.shape_cast %reduce_sum3A_437 : vector<1xf32> to vector<1x1xf32>
    %div3A_439 = vector.broadcast %broadcast_in_dim3A_438 : vector<1x1xf32> to vector<1x512xf32>
    %div3A_440 = arith.divf %exp3A_435, %div3A_439 : vector<1x512xf32>
    %dot_general3A_441 = arith.constant dense<0.000000e+00> : vector<1x64xf32>
    %dot_general3A_442 = tpu.matmul %div3A_440, %slice3A_424, %dot_general3A_441 {dimension_numbers = #tpu.dot_dimension_numbers<[1], [0], [0], [1], [0, 0, 1, 1], [], []>, precision = #tpu.contract_precision<fp32>, transpose_lhs_hint = false} : vector<1x512xf32>, vector<512x64xf32>, vector<1x64xf32> -> vector<1x64xf32>
    %slice3A_443 = vector.extract_strided_slice %dot_general3A_290 {offsets = [0, 448], sizes = [1, 64], strides = [1, 1]} : vector<1x512xf32> to vector<1x64xf32>
    %slice3A_444 = vector.extract_strided_slice %dot_general3A_295 {offsets = [0, 448], sizes = [512, 64], strides = [1, 1]} : vector<512x512xf32> to vector<512x64xf32>
    %slice3A_445 = vector.extract_strided_slice %dot_general3A_300 {offsets = [0, 448], sizes = [512, 64], strides = [1, 1]} : vector<512x512xf32> to vector<512x64xf32>
    %dot_general3A_446 = arith.constant dense<0.000000e+00> : vector<1x512xf32>
    %dot_general3A_447 = tpu.matmul %slice3A_443, %slice3A_444, %dot_general3A_446 {dimension_numbers = #tpu.dot_dimension_numbers<[1], [1], [0], [0], [0, 0, 1, 0], [], []>, precision = #tpu.contract_precision<fp32>, transpose_lhs_hint = false} : vector<1x64xf32>, vector<512x64xf32>, vector<1x512xf32> -> vector<1x512xf32>
    %mul3A_448 = arith.constant 1.250000e-01 : f32
    %mul3A_449 = vector.broadcast %mul3A_448 : f32 to vector<1x512xf32>
    %mul3A_450 = arith.mulf %dot_general3A_447, %mul3A_449 : vector<1x512xf32>
    %reduce_max3A_451 = arith.constant dense<0xFF800000> : vector<1xf32>
    %reduce_max3A_452 = vector.multi_reduction <maximumf>, %mul3A_450, %reduce_max3A_451 [1] : vector<1x512xf32> to vector<1xf32>
    %broadcast_in_dim3A_453 = vector.shape_cast %reduce_max3A_452 : vector<1xf32> to vector<1x1xf32>
    %sub3A_454 = vector.broadcast %broadcast_in_dim3A_453 : vector<1x1xf32> to vector<1x512xf32>
    %sub3A_455 = arith.subf %mul3A_450, %sub3A_454 : vector<1x512xf32>
    %exp3A_456 = math.exp %sub3A_455 : vector<1x512xf32>
    %reduce_sum3A_457 = arith.constant dense<0.000000e+00> : vector<1xf32>
    %reduce_sum3A_458 = vector.multi_reduction <add>, %exp3A_456, %reduce_sum3A_457 [1] : vector<1x512xf32> to vector<1xf32>
    %broadcast_in_dim3A_459 = vector.shape_cast %reduce_sum3A_458 : vector<1xf32> to vector<1x1xf32>
    %div3A_460 = vector.broadcast %broadcast_in_dim3A_459 : vector<1x1xf32> to vector<1x512xf32>
    %div3A_461 = arith.divf %exp3A_456, %div3A_460 : vector<1x512xf32>
    %dot_general3A_462 = arith.constant dense<0.000000e+00> : vector<1x64xf32>
    %dot_general3A_463 = tpu.matmul %div3A_461, %slice3A_445, %dot_general3A_462 {dimension_numbers = #tpu.dot_dimension_numbers<[1], [0], [0], [1], [0, 0, 1, 1], [], []>, precision = #tpu.contract_precision<fp32>, transpose_lhs_hint = false} : vector<1x512xf32>, vector<512x64xf32>, vector<1x64xf32> -> vector<1x64xf32>
    %concatenate3A_464 = tpu.concatenate %dot_general3A_316, %dot_general3A_337, %dot_general3A_358, %dot_general3A_379, %dot_general3A_400, %dot_general3A_421, %dot_general3A_442, %dot_general3A_463 in 1 : vector<1x64xf32>, vector<1x64xf32>, vector<1x64xf32>, vector<1x64xf32>, vector<1x64xf32>, vector<1x64xf32>, vector<1x64xf32>, vector<1x64xf32> -> vector<1x512xf32>
    %get3A_465 = arith.constant 0 : index
    %get3A_466 = arith.constant 0 : index
    %get3A_467 = vector.load %arg6[%get3A_465, %get3A_466] : memref<512x1024xf32, #tpu.memory_space<vmem>>, vector<512x1024xf32>
    %dot_general3A_468 = arith.constant dense<0.000000e+00> : vector<1x1024xf32>
    %dot_general3A_469 = tpu.matmul %concatenate3A_464, %get3A_467, %dot_general3A_468 {dimension_numbers = #tpu.dot_dimension_numbers<[1], [0], [0], [1], [0, 0, 1, 1], [], []>, precision = #tpu.contract_precision<fp32>, transpose_lhs_hint = false} : vector<1x512xf32>, vector<512x1024xf32>, vector<1x1024xf32> -> vector<1x1024xf32>
    %swap3A = arith.constant 0 : index
    %swap3A_470 = arith.constant 0 : index
    %swap3A_471 = vector.load %arg7[%swap3A, %swap3A_470] : memref<1x1024xf32, #tpu.memory_space<vmem>>, vector<1x1024xf32>
    tpu.vector_store %arg7[%swap3A, %swap3A_470], %dot_general3A_469 {strides = array<i32>} : memref<1x1024xf32, #tpu.memory_space<vmem>>, vector<1x1024xf32>,
    return
  }
}

</mosaic_0001>

<sc_bundles>
// kernel: kernel.7.cloned.1.call-start
scs
__scs_entry_jumppad:
0x0: {  	(pc) =	sbr.rel $0x88, $3  }
0x1: {  	(tag) =	ssettag $0x0;
	lr =	simm.s32 $0x1  }
0x2: {  	[smem:$0x3F9B] =	sst lr;
	_ =	strace $0xD0000000  }
0x3: {  	_ = 	snop  }
0x4: {  	_ = 	snop  }
0x5: {  	_ = 	snop  }
0x6: {  	_ = 	snop  }
0x7: {  	_ = 	snop  }
__scs_overlays_trampoline_lowered:
0x8: {  	[smem:$0x3FAA] =	sst s0  }
0x9: {  	[smem:$0x3FAB] =	sst s1  }
0xa: {  	[smem:$0x3FAC] =	sst s2  }
0xb: {  	[smem:$0x3FAD] =	sst s3  }
0xc: {  	[smem:$0x3FAE] =	sst s4  }
0xd: {  	[smem:$0x3FAF] =	sst s5  }
0xe: {  	[smem:$0x3FB0] =	sst s6  }
0xf: {  	[smem:$0x3FB1] =	sst s7  }
0x10: {  	[smem:$0x3FB2] =	sst s8  }
0x11: {  	[smem:$0x3FB3] =	sst s9;
	s0 =	simm.s32 @!p0 $0x0  }
0x12: {  	s1 =	sld [smem:$0x3F99];
	s0 =	simm.s32 @p0 $0x1  }
0x13: {  	[smem:$0x3FB4] =	sst s0;
	s0 =	simm.s32 @!p1 $0x0  }
0x14: {  	s2 =	sld [smem:$0x3F98];
	s0 =	simm.s32 @p1 $0x1  }
0x15: {  	[smem:$0x3FB5] =	sst s0;
	s0 =	simm.s32 @!p2 $0x0  }
0x16: {  	s3 =	sld [smem:$0x3FDB];
	s0 =	simm.s32 @p2 $0x1  }
0x17: {  	s4 =	simm.s32 $0x1BF5;
	[smem:$0x3FB7] =	sst s0  }
0x18: {  	s0 =	sld [smem:$0x3F9A];
	_ =	swait.ge [sflag:s4], $0x0  }
0x19: {  	s7 =	sld [smem:$0x3F9B]  }
0x1a: {  	s8 =	sadd.s32 $0xFFFFE003, lr  }
0x1b: {  	s9 =	sadd.s32 $0xFFFFFEF7, lr;
	s5 =	simm.s32 $0xFFFFFFFF;
	p2 =	slt.u32 s8, $0xFFFFF086  }
0x1c: {  	p1 =	slt.u32 s9, $0xF7A;
	s5 =	simm.s32 @!p2 $0x0  }
0x1d: {  	s5 =	simm.s32 @p1 $0x1;
	p0 =	seq.s32 s7, s2  }
0x1e: {  	s7 =	smul.u32 @!p0 $0xF7A, s2;
	p2 =	seq.s32 @!p0 s5, $0x0  }
0x1f: {  	s9 =	smul.u32 $0xF7A, s1;
	s8 =	simm.s32 @!p0 $0x1BF5;
	p2 =	por !p2, p0  }
0x20: {  	[sflag:s8] =	ssyncset.s32 @!p0 $0xFFFFF086;
	s6 =	sadd.s32 @!p0 s3, s7;
	s7 =	simm.s32 @!p0 $0x108  }
0x21: {  	s3 =	sadd.s32 s3, s9;
	s6 =	sadd.s32 @!p0 $0x88, s6;
	s7 =	simm.s32 @p2 $0x1082  }
0x22: {  	[simem:s7], [sflag:s8] =	dma.local @!p0 [hbm:s6], $0xF7A  }
0x23: {  	s9 =	sor.u32 $0xD0000000, s2;
	s6 =	simm.s32 $0x108;
	_ =	swait.ge @!p0 [sflag:s8], $0x0  }
0x24: {  	s3 =	sadd.s32 $0x88, s3;
	s6 =	simm.s32 @!p1 $0x1082;
	[sflag:s4] =	ssyncset.s32 $0xFFFFF086  }
0x25: {  	[simem:s6], [sflag:s4] =	dma.local [hbm:s3], $0xF7A  }
0x26: {  	[smem:$0x3F9B] =	sst s1;
	(tag) =	ssettag s2;
	_ =	strace s9  }
0x27: {  	s1 =	sld [smem:$0x3FAB]  }
0x28: {  	s2 =	sld [smem:$0x3FAC]  }
0x29: {  	s4 =	sld [smem:$0x3FAE]  }
0x2a: {  	p0 =	seq.s32 s5, $0x0;
	s5 =	sld [smem:$0x3FAF]  }
0x2b: {  	s6 =	sld [smem:$0x3FB0]  }
0x2c: {  	s7 =	sld [smem:$0x3FB1]  }
0x2d: {  	s3 =	simm.s32 $0x108;
	s8 =	sld [smem:$0x3FB2]  }
0x2e: {  	s3 =	simm.s32 @!p0 $0x1082;
	s9 =	sld [smem:$0x3FB3]  }
0x2f: {  	lr =	sadd.s32 s0, s3;
	s0 =	sld [smem:$0x3FAA]  }
0x30: {  	s3 =	sld [smem:$0x3FAD]  }
0x31: {  	[smem:$0x3FB6] =	sst s10  }
0x32: {  	s10 =	sld [smem:$0x3FB4];
	_ =	sdelay $0x3  }
0x33: {  	p0 =	seq.s32 s10, $0x1;
	s10 =	sld [smem:$0x3FB6];
	_ =	sdelay $0x3  }
0x34: {  	[smem:$0x3FB6] =	sst s10  }
0x35: {  	s10 =	sld [smem:$0x3FB5];
	_ =	sdelay $0x3  }
0x36: {  	p1 =	seq.s32 s10, $0x1;
	s10 =	sld [smem:$0x3FB6];
	_ =	sdelay $0x3  }
0x37: {  	[smem:$0x3FB6] =	sst s10  }
0x38: {  	s10 =	sld [smem:$0x3FB7]  }
0x39: {  	_ = 	snop;
	(pc) =	sbr.ind lr, $3  }
0x3a: {  	_ = 	snop  }
0x3b: {  	_ = 	snop  }
0x3c: {  	p2 =	seq.s32 s10, $0x1;
	s10 =	sld [smem:$0x3FB6]  }
0x3d: {  	_ =	shalt  }
0x3e: {  	_ =	shalt  }
0x3f: {  	_ =	shalt  }
0x40: {  	_ =	shalt  }
0x41: {  	_ =	shalt  }
0x42: {  	_ =	shalt  }
0x43: {  	_ =	shalt  }
0x44: {  	_ =	shalt  }
0x45: {  	_ =	shalt  }
0x46: {  	_ =	shalt  }
0x47: {  	_ =	shalt  }
0x48: {  	_ =	shalt  }
0x49: {  	_ =	shalt  }
0x4a: {  	_ =	shalt  }
0x4b: {  	_ =	shalt  }
0x4c: {  	_ =	shalt  }
0x4d: {  	_ =	shalt  }
0x4e: {  	_ =	shalt  }
0x4f: {  	_ =	shalt  }
0x50: {  	_ =	shalt  }
0x51: {  	_ =	shalt  }
0x52: {  	_ =	shalt  }
0x53: {  	_ =	shalt  }
0x54: {  	_ =	shalt  }
0x55: {  	_ =	shalt  }
0x56: {  	_ =	shalt  }
0x57: {  	_ =	shalt  }
0x58: {  	_ =	shalt  }
0x59: {  	_ =	shalt  }
0x5a: {  	_ =	shalt  }
0x5b: {  	_ =	shalt  }
0x5c: {  	_ =	shalt  }
0x5d: {  	_ =	shalt  }
0x5e: {  	_ =	shalt  }
0x5f: {  	_ =	shalt  }
0x60: {  	_ =	shalt  }
0x61: {  	_ =	shalt  }
0x62: {  	_ =	shalt  }
0x63: {  	_ =	shalt  }
0x64: {  	_ =	shalt  }
0x65: {  	_ =	shalt  }
0x66: {  	_ =	shalt  }
0x67: {  	_ =	shalt  }
0x68: {  	_ =	shalt  }
0x69: {  	_ =	shalt  }
0x6a: {  	_ =	shalt  }
0x6b: {  	_ =	shalt  }
0x6c: {  	_ =	shalt  }
0x6d: {  	_ =	shalt  }
0x6e: {  	_ =	shalt  }
0x6f: {  	_ =	shalt  }
0x70: {  	_ =	shalt  }
0x71: {  	_ =	shalt  }
0x72: {  	_ =	shalt  }
0x73: {  	_ =	shalt  }
0x74: {  	_ =	shalt  }
0x75: {  	_ =	shalt  }
0x76: {  	_ =	shalt  }
0x77: {  	_ =	shalt  }
0x78: {  	_ =	shalt  }
0x79: {  	_ =	shalt  }
0x7a: {  	_ =	shalt  }
0x7b: {  	_ =	shalt  }
0x7c: {  	_ =	shalt  }
0x7d: {  	_ =	shalt  }
0x7e: {  	_ =	shalt  }
0x7f: {  	_ =	shalt  }
0x80: {  	_ =	shalt  }
0x81: {  	_ =	shalt  }
0x82: {  	_ =	shalt  }
0x83: {  	_ =	shalt  }
0x84: {  	_ =	shalt  }
0x85: {  	_ =	shalt  }
0x86: {  	_ =	shalt  }
0x87: {  	_ =	shalt  }
.Lfunc_end0:
.L_simem_size_0:
called_computation_lowered:
.L_overlay_start_0:
0x88: {  	s2 =	sld [smem:$0x3FD9]  }
0x89: {  	s3 =	sld [smem:$0x3FFE];
	_ =	sdelay $0x1  }
0x8a: {  	s1 =	srdreg.scid  }
0x8b: {  	s0 =	sand.u32 $0x1, s1  }
0x8c: {  	s17 =	sshll.u32 s0, $0xA;
	s2 =	sadd.s32 s3, s2  }
0x8d: {  	s2 =	sadd.s32 s2, s17  }
0x8e: {  	[smem:$0x3FC2] =	sst s2  }
0x8f: {  	_ = 	snop  }
0x90: {  	s2 =	sld [smem:$0x3FC8];
	(tm) =	ssettm $0x1  }
0x91: {  	s18 =	sld [smem:$0x3FFB];
	_ =	sdelay $0x3  }
0x92: {  	_ =	strace s18  }
0x93: {  	s3 =	sld [smem:$0x3FFC];
	_ =	sdelay $0x3  }
0x94: {  	_ =	strace s3  }
0x95: {  	s3 =	sld [smem:$0x3FFD];
	_ =	sdelay $0x3  }
0x96: {  	_ =	strace s3  }
0x97: {  	_ =	strace $0x8FFFFFFF  }
0x98: {  	s19 =	sld [smem:$0x3FDB];
	_ =	sdelay $0x1  }
0x99: {  	s4 =	simm.s32 $_scs_section_size  }
0x9a: {  	s5 =	simm.s32 $_size__tile_overlayer_lowered;
	s6 =	simm.s32 $_tile_overlayer_lowered  }
0x9b: {  	s22 =	simm.s32 $0x1BFF;
	s21 =	sshll.u32 s6, $0x1;
	s3 =	sadd.s32 s4, s19  }
0x9c: {  	s7 =	simm.s32 $0x0;
	s20 =	sshll.u32 s5, $0x1;
	s5 =	sadd.s32 s21, s3  }
0x9d: {  	[timem:s7], [sflag:s22] =	dma.local [hbm:s5], s20  }
0x9e: {  	_ =	swait.ge [sflag:s22], s20  }
0x9f: {  	s4 =	ssub.s32 $0x0, s20;
	[sflag:s22] =	ssyncset.done $0x0  }
0xa0: {  	[sflag:s22] =	ssyncadd.s32 s4;
	_ =	sdelay $0x1  }
0xa1: {  	s23 =	simm.s32 $0x1B8B  }
0xa2: {  	_ =	swait.ge [sflag:s23], $0x1  }
0xa3: {  	[sflag:s23] =	ssyncset.done $0x0  }
0xa4: {  	s25 =	simm.s32 $0x1B8E;
	s24 =	sld [smem:$0x3FFE];
	[sflag:s23] =	ssyncadd.s32 $0xFFFFFFFF  }
0xa5: {  	s26 =	simm.s32 $execute0_lowered;
	[smem:$0x3FD2] =	sst s25  }
0xa6: {  	s5 =	sshll.u32 s26, $0x1;
	_ =	strace $0x80000046;
	[dreg:$0x1] =	wrdreg $0xFFFFFFFF  }
0xa7: {  	s28 =	simm.s32 $_size_execute0_lowered;
	s3 =	sadd.s32 s3, s5;
	[dreg:$0x0] =	wrdreg $0x0  }
0xa8: {  	s5 =	sshll.u32 s28, $0x1;
	[dreg:$0x2] =	wrdreg s3  }
0xa9: {  	[dreg:$0x3] =	wrdreg s5  }
0xaa: {  	[dreg:$0x4] =	wrdreg $0xC0  }
0xab: {  	_ =	task [dreg:s7], $0x5FFFF  }
0xac: {  	[dreg:$0x1] =	wrdreg $0xFFFFFFFF  }
0xad: {  	[dreg:$0x0] =	wrdreg $0x60  }
0xae: {  	[dreg:$0x2] =	wrdreg s2  }
0xaf: {  	[dreg:$0x3] =	wrdreg s24  }
0xb0: {  	[dreg:$0x4] =	wrdreg $0x9  }
0xb1: {  	_ =	task.clear_ibuf [dreg:s7], $0x5FFFF;
	_ =	strace $0x90000046  }
0xb2: {  	s29 =	simm.s32 $0x9;
	_ =	strace $0x80000048  }
0xb3: {  	_ =	swait.ge [sflag:s29], $0x1  }
0xb4: {  	[sflag:s29] =	ssyncadd.s32 $0xFFFFFFFF  }
0xb5: {  	_ =	strace $0x90000048  }
0xb6: {  	_ =	sfence  }
0xb7: {  	s30 =	sld [smem:$0x0];
	_ =	sdelay $0x2  }
0xb8: {  	s31 =	sshll.u32 s1, $0xD;
	s1 =	sshrl.u32 s1, $0x2  }
0xb9: {  	s3 =	sand.u32 $0x4000, s31;
	s1 =	sadd.s32 s1, s30  }
0xba: {  	s0 =	sor.u32 s3, s0;
	s1 =	sshll.u32 s1, $0x11  }
0xbb: {  	s0 =	sor.u32 s1, s0  }
0xbc: {  	s0 =	sadd.s32 $0x8F2B, s0  }
0xbd: {  	[sflag:s0] =	ssyncadd.remote.s32 $0x1  }
0xbe: {  	_ =	sfence.sel $0xFFFF  }
0xbf: {  	[dreg:$0x0] =	wrdreg $0xFFFFFFFF;
	(pc) =	sbr.abs _section_cstart, $3  }
0xc0: {  	[dreg:$0x1] =	wrdreg $0xFFFFFFFF  }
0xc1: {  	_ =	task.clear_ibuf [dreg:s7], $0x2FFFF;
	_ =	strace $0x9FFFFFFF  }
0xc2: {  	(tm) =	ssettm $0x7FFFFFFF  }
0xc3: {  	_ =	shalt  }
tec
execute0_lowered:
.L_overlay_start_1:
0x0: {  	(tag) =	ssettag $0x1  }
0x1: {  	s2 =	rddreg [dreg:$0x0]  }
0x2: {  	s4 =	rddreg [dreg:$0x1]  }
0x3: {  	s1 =	stileid.u32;
	s3 =	srdreg.scid  }
0x4: {  	s0 =	rddreg [dreg:$0x2];
	s9 =	simm.s32 $0x400;
	s10 =	simm.s32 $0x8000  }
0x5: {  	s11 =	simm.s32 $0x2;
	s5 =	sand.u32 $0x1, s3;
	s6 =	sshll.u32 s1, $0x1  }
0x6: {  	v0 =	vimm.f32 $0.0e+00;
	vm0 =	vmmov $0x1;
	s3 =	simm.s32 $0x0;
	s7 =	sshll.u32 s1, $0x9;
	s6 =	sor.u32 s5, s6  }
0x7: {  	vm1 =	vcmask $0x308;
	vm2 =	vcmask $0x70C;
	vm3 =	vcmask $0xB10;
	[smem:$0x7FF] =	sst s3;
	s7 =	sand.u32 $0x1800, s7;
	s5 =	ssub.s32 $0x2, s5  }
0x8: {  	vm4 =	vcmask $0xF14;
	vm5 =	vcmask $0x1318;
	vm6 =	vcmask $0x171C;
	s8 =	sshll.u32 s6, $0x4;
	s4 =	sadd.s32 s7, s4;
	s31 =	sshrl.u32 s5, $0x1  }
0x9: {  	vm7 =	vcmask $0x1B20;
	vm8 =	vcmask $0x1F24;
	vm9 =	vcmask $0x2328;
	_ =	strace $0x80000047;
	s30 =	sand.u32 $0x70, s8;
	s8 =	ssub.s32 s5, s31  }
0xa: {  	vm10 =	vcmask $0x272C;
	vm11 =	vcmask $0x2B30;
	vm12 =	vcmask $0x2F34;
	s7 =	sadd.s32 s30, s4;
	s4 =	smul.u32 $0x180, s6;
	s6 =	smax.u32 s8, $0x1  }
0xb: {  	vm13 =	vcmask $0x3338;
	vm14 =	vcmask $0x373C;
	vm15 =	vmmov $0x7fff;
	s8 =	simm.s32 $0x80;
	s5 =	sadd.s32 $0x200, s7;
	s7 =	simm.s32 $0x1  }
.LBB2_1:
0xc: {  	s12 =	simm.s32 $0x40;
	s13 =	simm.s32 $0x0  }
.LBB2_2:
0xd: {  	p0 =	sne.s32 s12, $0x1FC0;
	[tilespmem:s13+$0x8000] =	vst v0;
	s13 =	smov.u32 s12;
	s12 =	sadd.s32 $0x40, s12  }
.Ltmp0:
0xe: {  	(pc) =	sbr.rel @p0 .LBB2_2-.Ltmp0, $2  }
0xf: {  	_ =	sdelay $0x2  }
0x10: {  	s13 =	sshra.s32 s13, $0x2  }
0x11: {  	[tilespmem:s13+$0x8000] =	vst v0;
	s12 =	simm.s32 $0x0;
	s13 =	simm.s32 $0x0  }
.LBB2_4:
0x12: {  	s15 =	sshll.u32 s13, $0x4  }
0x13: {  	s14 =	sadd.s32 s4, s15  }
0x14: {  	s16 =	sshll.u32 s14, $0x8  }
0x15: {  	s16 =	sadd.s32 s2, s16  }
0x16: {  	[tilespmem:s12], [sflag:$0x1] =	stream.linear.gather [hbm4b:s16+s12], $0x8000, $0x38;
	[tilespmem:$0x8800] =	vst v63  }
0x17: {  	_ =	swait.ge [sflag:s7], $0x8000  }
0x18: {  	s30 =	sand.u32 $0x70, s12;
	s17 =	sand.u32 $0x3C00, s12;
	[sflag:s7] =	ssyncset.done $0x0  }
0x19: {  	s17 =	sor.u32 s30, s17;
	[sflag:s7] =	ssyncadd.s32 $0xFFFF8000  }
0x1a: {  	s16 =	simm.s32 $0x8000;
	v1 =	vld [tilespmem:s17+$0x0]  }
0x1b: {  	v2 =	vld [tilespmem:s16+$0x0];
	_ =	sdelay $0x1  }
0x1c: {  	v3 =	vld [tilespmem:s17+$0x80];
	_ =	sdelay $0x1  }
0x1d: {  	v4 =	vld [tilespmem:s17+$0x100]  }
0x1e: {  	v1 =	vadd.f32 v1, v2  }
0x1f: {  	v2 =	vld [tilespmem:s17+$0x180]  }
0x20: {  	v1 =	vadd.f32 v3, v1  }
0x21: {  	v3 =	vld [tilespmem:s17+$0x200]  }
0x22: {  	v1 =	vadd.f32 v4, v1  }
0x23: {  	s18 =	sand.u32 $0x7, s12;
	v60 =	vld [tilespmem:s17+$0x280]  }
0x24: {  	s18 =	sshll.u32 s18, $0x4;
	v1 =	vadd.f32 v2, v1  }
0x25: {  	s18 =	sadd.s32 $0x0, s18;
	v2 =	vld [tilespmem:s17+$0x300]  }
0x26: {  	s18 =	sor.u32 $0x380, s18;
	v1 =	vadd.f32 v3, v1  }
0x27: {  	v3 =	vld [tilespmem:s18+$0x0]  }
0x28: {  	v1 =	vadd.f32 v60, v1  }
0x29: {  	v61 =	vld [tilespmem:s17+$0x4000]  }
0x2a: {  	v1 =	vadd.f32 v2, v1  }
0x2b: {  	v2 =	vld [tilespmem:s17+$0x4080]  }
0x2c: {  	v1 =	vadd.f32 v3, v1  }
0x2d: {  	v3 =	vld [tilespmem:s17+$0x4100]  }
0x2e: {  	v1 =	vadd.f32 v61, v1  }
0x2f: {  	v62 =	vld [tilespmem:s17+$0x4180]  }
0x30: {  	v1 =	vadd.f32 v2, v1  }
0x31: {  	v2 =	vld [tilespmem:s17+$0x4200]  }
0x32: {  	v1 =	vadd.f32 v3, v1  }
0x33: {  	v3 =	vld [tilespmem:s17+$0x4280]  }
0x34: {  	v1 =	vadd.f32 v62, v1  }
0x35: {  	v63 =	vld [tilespmem:s17+$0x4300]  }
0x36: {  	v1 =	vadd.f32 v2, v1  }
0x37: {  	v2 =	vld [tilespmem:s17+$0x4380]  }
0x38: {  	v1 =	vadd.f32 v3, v1;
	_ =	sdelay $0x1  }
0x39: {  	v1 =	vadd.f32 v63, v1;
	_ =	sdelay $0x1  }
0x3a: {  	s31 =	simm.s32 $0x10;
	s18 =	simm.s32 $0x80;
	v1 =	vadd.f32 v2, v1  }
0x3b: {  	s19 =	sand.u32 $0x3C00, s18;
	s17 =	sand.u32 $0x70, s31  }
0x3c: {  	s20 =	simm.s32 $0x20;
	s17 =	sor.u32 s17, s19;
	s19 =	simm.s32 $0x0;
	[tilespmem:s16+$0x0] =	vst v1  }
.LBB2_5:
0x3d: {  	p0 =	sne.s32 s20, $0x7F0;
	v1 =	vld [tilespmem:s17+$0x0];
	s16 =	sadd.s32 $0x10, s16  }
0x3e: {  	v2 =	vld [tilespmem:s16+$0x0];
	_ =	sdelay $0x1  }
0x3f: {  	v3 =	vld [tilespmem:s17+$0x80];
	_ =	sdelay $0x1  }
0x40: {  	v4 =	vld [tilespmem:s17+$0x100]  }
0x41: {  	v1 =	vadd.f32 v1, v2  }
0x42: {  	v2 =	vld [tilespmem:s17+$0x180]  }
0x43: {  	v1 =	vadd.f32 v3, v1  }
0x44: {  	v3 =	vld [tilespmem:s17+$0x200]  }
0x45: {  	s19 =	sadd.s32 $0x1, s19;
	v1 =	vadd.f32 v4, v1  }
0x46: {  	s21 =	sand.u32 $0x7, s19;
	v4 =	vld [tilespmem:s17+$0x280]  }
0x47: {  	s21 =	sshll.u32 s21, $0x4;
	v1 =	vadd.f32 v2, v1  }
0x48: {  	s21 =	sadd.s32 s21, s18;
	v2 =	vld [tilespmem:s17+$0x300]  }
0x49: {  	s21 =	sor.u32 $0x380, s21;
	v1 =	vadd.f32 v3, v1  }
0x4a: {  	v3 =	vld [tilespmem:s21+$0x0]  }
0x4b: {  	v1 =	vadd.f32 v4, v1  }
0x4c: {  	v4 =	vld [tilespmem:s17+$0x4000]  }
0x4d: {  	v1 =	vadd.f32 v2, v1  }
0x4e: {  	v2 =	vld [tilespmem:s17+$0x4080]  }
0x4f: {  	v1 =	vadd.f32 v3, v1  }
0x50: {  	v3 =	vld [tilespmem:s17+$0x4100]  }
0x51: {  	v1 =	vadd.f32 v4, v1  }
0x52: {  	v4 =	vld [tilespmem:s17+$0x4180]  }
0x53: {  	v1 =	vadd.f32 v2, v1  }
0x54: {  	v2 =	vld [tilespmem:s17+$0x4200]  }
0x55: {  	v1 =	vadd.f32 v3, v1  }
0x56: {  	v3 =	vld [tilespmem:s17+$0x4280]  }
0x57: {  	v1 =	vadd.f32 v4, v1  }
0x58: {  	v4 =	vld [tilespmem:s17+$0x4300]  }
0x59: {  	v1 =	vadd.f32 v2, v1  }
0x5a: {  	v2 =	vld [tilespmem:s17+$0x4380]  }
0x5b: {  	v1 =	vadd.f32 v3, v1;
	_ =	sdelay $0x1  }
.Ltmp1:
0x5c: {  	v1 =	vadd.f32 v4, v1;
	(pc) =	sbr.rel @p0 .LBB2_5-.Ltmp1, $4  }
0x5d: {  	_ = 	snop  }
0x5e: {  	s18 =	sadd.s32 $0x80, s18;
	v1 =	vadd.f32 v2, v1  }
0x5f: {  	s21 =	sand.u32 $0x3C00, s18;
	s17 =	sand.u32 $0x70, s20  }
0x60: {  	s20 =	sadd.s32 $0x10, s20;
	s17 =	sor.u32 s17, s21;
	[tilespmem:s16+$0x0] =	vst v1  }
0x61: {  	v1 =	vld [tilespmem:s17+$0x0];
	s16 =	sadd.s32 $0x10, s16  }
0x62: {  	v2 =	vld [tilespmem:s16+$0x0];
	_ =	sdelay $0x1  }
0x63: {  	v3 =	vld [tilespmem:s17+$0x80];
	_ =	sdelay $0x1  }
0x64: {  	v4 =	vld [tilespmem:s17+$0x100]  }
0x65: {  	v1 =	vadd.f32 v1, v2  }
0x66: {  	v2 =	vld [tilespmem:s17+$0x180]  }
0x67: {  	v1 =	vadd.f32 v3, v1  }
0x68: {  	v3 =	vld [tilespmem:s17+$0x200]  }
0x69: {  	s19 =	sadd.s32 $0x1, s19;
	v1 =	vadd.f32 v4, v1  }
0x6a: {  	v55 =	vld [tilespmem:s17+$0x280];
	s19 =	sand.u32 $0x7, s19  }
0x6b: {  	s19 =	sshll.u32 s19, $0x4;
	v1 =	vadd.f32 v2, v1  }
0x6c: {  	s18 =	sadd.s32 s19, s18;
	v2 =	vld [tilespmem:s17+$0x300]  }
0x6d: {  	s18 =	sor.u32 $0x380, s18;
	v1 =	vadd.f32 v3, v1  }
0x6e: {  	v3 =	vld [tilespmem:s18+$0x0]  }
0x6f: {  	v1 =	vadd.f32 v55, v1  }
0x70: {  	v56 =	vld [tilespmem:s17+$0x4000]  }
0x71: {  	v1 =	vadd.f32 v2, v1  }
0x72: {  	v2 =	vld [tilespmem:s17+$0x4080]  }
0x73: {  	v1 =	vadd.f32 v3, v1  }
0x74: {  	v3 =	vld [tilespmem:s17+$0x4100]  }
0x75: {  	v1 =	vadd.f32 v56, v1  }
0x76: {  	v57 =	vld [tilespmem:s17+$0x4180]  }
0x77: {  	v1 =	vadd.f32 v2, v1  }
0x78: {  	v2 =	vld [tilespmem:s17+$0x4200]  }
0x79: {  	v1 =	vadd.f32 v3, v1  }
0x7a: {  	v3 =	vld [tilespmem:s17+$0x4280]  }
0x7b: {  	v1 =	vadd.f32 v57, v1  }
0x7c: {  	v58 =	vld [tilespmem:s17+$0x4300]  }
0x7d: {  	v1 =	vadd.f32 v2, v1  }
0x7e: {  	v2 =	vld [tilespmem:s17+$0x4380]  }
0x7f: {  	v1 =	vadd.f32 v3, v1;
	_ =	sdelay $0x1  }
0x80: {  	v1 =	vadd.f32 v58, v1;
	_ =	sdelay $0x1  }
0x81: {  	s30 =	sshll.u32 s14, $0x3;
	v1 =	vadd.f32 v2, v1  }
0x82: {  	s15 =	sand.u32 $0x70, s15;
	s17 =	sand.u32 $0x3C00, s30  }
0x83: {  	s15 =	sor.u32 s15, s17;
	[tilespmem:s16+$0x0] =	vst v1  }
0x84: {  	v1 =	vld [tilespmem:s15+$0x0];
	_ =	sdelay $0x1  }
0x85: {  	v2 =	vld [tilespmem:s15+$0x80];
	_ =	sdelay $0x1  }
0x86: {  	v3 =	vld [tilespmem:s15+$0x100]  }
0x87: {  	v1 =	vnsel vm0, $0x0, v1  }
0x88: {  	v59 =	vld [tilespmem:s15+$0x180];
	v1 =	vadd.f32 $0.0e+00, v1  }
0x89: {  	v2 =	vsel vm1, $0x0, v2  }
0x8a: {  	v1 =	vadd.f32 v2, v1;
	v2 =	vld [tilespmem:s15+$0x200]  }
0x8b: {  	v3 =	vsel vm2, $0x0, v3  }
0x8c: {  	v1 =	vadd.f32 v3, v1;
	v3 =	vld [tilespmem:s15+$0x280]  }
0x8d: {  	v4 =	vsel vm3, $0x0, v59  }
0x8e: {  	v60 =	vld [tilespmem:s15+$0x300];
	v1 =	vadd.f32 v4, v1  }
0x8f: {  	v2 =	vsel vm4, $0x0, v2  }
0x90: {  	v1 =	vadd.f32 v2, v1;
	v2 =	vld [tilespmem:s15+$0x380]  }
0x91: {  	v3 =	vsel vm5, $0x0, v3  }
0x92: {  	v1 =	vadd.f32 v3, v1;
	v3 =	vld [tilespmem:s15+$0x4000]  }
0x93: {  	v4 =	vsel vm6, $0x0, v60  }
0x94: {  	v61 =	vld [tilespmem:s15+$0x4080];
	v1 =	vadd.f32 v4, v1  }
0x95: {  	v2 =	vsel vm7, $0x0, v2  }
0x96: {  	v1 =	vadd.f32 v2, v1;
	v2 =	vld [tilespmem:s15+$0x4100]  }
0x97: {  	v3 =	vsel vm8, $0x0, v3  }
0x98: {  	v1 =	vadd.f32 v3, v1;
	v3 =	vld [tilespmem:s15+$0x4180]  }
0x99: {  	v4 =	vsel vm9, $0x0, v61  }
0x9a: {  	v62 =	vld [tilespmem:s15+$0x4200];
	v1 =	vadd.f32 v4, v1  }
0x9b: {  	v2 =	vsel vm10, $0x0, v2  }
0x9c: {  	v1 =	vadd.f32 v2, v1;
	v2 =	vld [tilespmem:s15+$0x4280]  }
0x9d: {  	v3 =	vsel vm11, $0x0, v3  }
0x9e: {  	v1 =	vadd.f32 v3, v1;
	v3 =	vld [tilespmem:s15+$0x4300]  }
0x9f: {  	v4 =	vsel vm12, $0x0, v62  }
0xa0: {  	v63 =	vld [tilespmem:s15+$0x4380];
	v1 =	vadd.f32 v4, v1  }
0xa1: {  	v2 =	vsel vm13, $0x0, v2  }
0xa2: {  	s31 =	sand.u32 $0x7F0, s14;
	v1 =	vadd.f32 v2, v1  }
0xa3: {  	v2 =	vsel vm14, $0x0, v3;
	v3 =	vld [tilespmem:s31+$0x8000]  }
0xa4: {  	s13 =	sadd.s32 $0x1, s13;
	v1 =	vadd.f32 v2, v1  }
0xa5: {  	p0 =	sne.s32 s13, $0x18;
	v2 =	vsel vm15, $0x0, v63  }
.Ltmp2:
0xa6: {  	v1 =	vadd.f32 v2, v1;
	(pc) =	sbr.rel @p0 .LBB2_4-.Ltmp2, $3  }
0xa7: {  	_ = 	snop  }
0xa8: {  	v1 =	vsub.f32 v3, v1;
	_ =	sdelay $0x1  }
0xa9: {  	[tilespmem:s31+$0x8000] =	vst v1  }
0xaa: {  	s3 =	sadd.s32 $0x1, s3  }
0xab: {  	p0 =	sne.s32 s3, s6  }
.Ltmp3:
0xac: {  	_ = 	snop;
	(pc) =	sbr.rel @p0 .LBB2_1-.Ltmp3, $4  }
0xad: {  	[hbm4b:s5+s8] =	stream.strided.scatter [tilespmem:s10], [sflag:$0x2], $0x800, s9, s8, $0x38;
	[tilespmem:$0x8800] =	vst v63  }
0xae: {  	_ =	swait.ge [sflag:s11], $0x800  }
0xaf: {  	[sflag:s11] =	ssyncset.done $0x0  }
0xb0: {  	[sflag:s11] =	ssyncadd.s32 $0xFFFFF800  }
0xb1: {  	_ =	sfence.sel $0x180000  }
0xb2: {  	[bflag:$0x0] =	sbarrier.arrive $0xFFFF  }
0xb3: {  	p0 =	sne.s32 s1, $0x0;
	_ =	strace $0x90000047  }
0xb4: {  	s0 =	sadd.s32 @!p0 $0x100000, s0;
	[bflag:$0x2] =	sbarrier.arrive $0xFFFF  }
0xb5: {  	[sflag:s0] =	ssyncadd.tile.s32 @!p0 $0x1;
	_ =	shalt  }
.Lfunc_end2:
_tile_overlayer_lowered:
.L_overlay_start_2:
0xb6: {  	(tag) =	ssettag $0x2  }
0xb7: {  	s0 =	rddreg [dreg:$0x0];
	s2 =	stileid.u32  }
0xb8: {  	s1 =	rddreg [dreg:$0x1];
	p0 =	sne.s32 s2, $0x0  }
0xb9: {  	s3 =	rddreg [dreg:$0x2];
	[bflag:$0x3] =	sbarrier.arrive $0xFFFF;
	s2 =	simm.s32 @!p0 $0x1C02  }
0xba: {  	[timem:s3], [sflag:s2] =	dma.local @!p0 [hbm:s0], s1  }
0xbb: {  	s0 =	simm.s32 @!p0 $0x2  }
0xbc: {  	_ =	swait.ge @!p0 [sflag:s0], s1  }
0xbd: {  	s1 =	ssub.s32 @!p0 $0x0, s1;
	[sflag:s0] =	ssyncset.done @!p0 $0x0  }
0xbe: {  	[sflag:s0] =	ssyncadd.s32 @!p0 s1  }
0xbf: {  	[bflag:$0x3] =	sbarrier.arrive $0xFFFF  }
0xc0: {  	_ =	shalt  }

</sc_bundles>
